<compile_context>
chip_gen: v7x
topology: tpu7x:2x2x1
jax: 0.10.2.dev20260603
libtpu: 0.0.44.dev20260713+nightly
codegen_flags: <defaults>
</compile_context>

<pallas_src>
import functools

import jax
import jax.numpy as jnp
from jax import lax
from jax.experimental import pallas as pl
from jax.experimental.pallas import tpu as pltpu
from jax.experimental.pallas import tpu_sc as plsc

TOKENS = 16384
HIDDEN = 2048
EXPERTS = 16
TOPK = 2

NC = 2
NS = 16
NW = NC * NS

LN2 = 0.6931471805599453


def _scores_body(x_ref, wt_ref, out_ref):
    z = jnp.dot(x_ref[...], wt_ref[...], preferred_element_type=jnp.float32)
    out_ref[...] = 1.0 / (1.0 + jnp.exp(-z))


def _make_tc_scores(n_tokens, bt):
    return pl.pallas_call(
        _scores_body,
        grid=(n_tokens // bt,),
        in_specs=[
            pl.BlockSpec((bt, HIDDEN), lambda i: (i, 0)),
            pl.BlockSpec((HIDDEN, EXPERTS), lambda i: (0, 0)),
        ],
        out_specs=pl.BlockSpec((bt, EXPERTS), lambda i: (i, 0)),
        out_shape=jax.ShapeDtypeStruct((n_tokens, EXPERTS), jnp.float32),
    )


def _ln(x):
    bi = lax.bitcast_convert_type(x, jnp.int32)
    e = lax.shift_right_arithmetic(bi, 23) - 127
    mb = lax.bitwise_or(lax.bitwise_and(bi, 0x7FFFFF), 0x3F800000)
    m = lax.bitcast_convert_type(mb, jnp.float32)
    t = (m - 1.0) / (m + 1.0)
    t2 = t * t
    ln_m = t * (2.0 + t2 * (2.0 / 3.0 + t2 * (2.0 / 5.0 + t2 * (2.0 / 7.0))))
    return e.astype(jnp.float32) * LN2 + ln_m


_sc_mesh = plsc.VectorSubcoreMesh(
    core_axis_name="c", subcore_axis_name="s", num_cores=NC, num_subcores=NS)


def _make_sc_route(n_tokens):
    tpw = n_tokens // NW
    groups = tpw // 16

    def _sc_route_body(scores_hbm, biaseps_hbm,
                       top_hbm, sel_hbm, cnt_hbm, ent_hbm,
                       scores_v, top_v, sel_v, biaseps_v, hist_v, cnt_v,
                       ent_v):
        cid = lax.axis_index("c")
        sid = lax.axis_index("s")
        wid = sid * NC + cid
        base = wid * tpw
        pltpu.sync_copy(scores_hbm.at[pl.ds(base * EXPERTS, tpw * EXPERTS)],
                        scores_v)
        pltpu.sync_copy(biaseps_hbm, biaseps_v)

        zeros16 = jnp.zeros((16,), jnp.float32)
        for l in range(16):
            hist_v[pl.ds(l * 16, 16)] = zeros16
        ent_v[...] = zeros16

        lanes = lax.iota(jnp.int32, 16)
        ones_f = jnp.ones((16,), jnp.float32)
        neg_inf = jnp.full((16,), -jnp.inf, jnp.float32)
        bias_vec = biaseps_v[pl.ds(0, 16)]
        eps_s = biaseps_v[pl.ds(16, 16)][0]

        @pl.loop(0, groups)
        def body(g):
            flat0 = (g * 16 + lanes) * EXPERTS
            b = []
            for e in range(EXPERTS):
                v = plsc.load_gather(scores_v, [flat0 + e])
                b.append(v + bias_vec[e])
            m1 = functools.reduce(jnp.maximum, b)
            idx1 = jnp.full((16,), EXPERTS - 1, jnp.int32)
            for e in range(EXPERTS - 2, -1, -1):
                idx1 = jnp.where(b[e] == m1,
                                 jnp.full((16,), e, jnp.int32), idx1)
            s1 = m1 - plsc.load_gather(biaseps_v, [idx1])
            b2 = [jnp.where(idx1 == e, neg_inf, b[e]) for e in range(EXPERTS)]
            m2 = functools.reduce(jnp.maximum, b2)
            idx2 = jnp.full((16,), EXPERTS - 1, jnp.int32)
            for e in range(EXPERTS - 2, -1, -1):
                idx2 = jnp.where(b2[e] == m2,
                                 jnp.full((16,), e, jnp.int32), idx2)
            s2 = m2 - plsc.load_gather(biaseps_v, [idx2])
            r = 1.0 / (s1 + s2 + eps_s)
            t1 = s1 * r
            t2 = s2 * r
            plsc.addupdate(ent_v.at[...], -(t1 * _ln(t1) + t2 * _ln(t2)))
            plsc.addupdate_scatter(hist_v, [lanes * EXPERTS + idx1], ones_f)
            plsc.addupdate_scatter(hist_v, [lanes * EXPERTS + idx2], ones_f)
            out0 = (g * 16 + lanes) * TOPK
            plsc.store_scatter(top_v, [out0], t1)
            plsc.store_scatter(top_v, [out0 + 1], t2)
            plsc.store_scatter(sel_v, [out0], idx1)
            plsc.store_scatter(sel_v, [out0 + 1], idx2)

        pltpu.sync_copy(top_v, top_hbm.at[pl.ds(base * TOPK, tpw * TOPK)])
        pltpu.sync_copy(sel_v, sel_hbm.at[pl.ds(base * TOPK, tpw * TOPK)])

        cnt = hist_v[pl.ds(0, 16)]
        for l in range(1, 16):
            cnt = cnt + hist_v[pl.ds(l * 16, 16)]
        cnt_v[...] = cnt
        pltpu.sync_copy(cnt_v, cnt_hbm.at[pl.ds(wid * 16, 16)])
        pltpu.sync_copy(ent_v, ent_hbm.at[pl.ds(wid * 16, 16)])

    return pl.kernel(
        _sc_route_body,
        out_type=(
            jax.ShapeDtypeStruct((n_tokens * TOPK,), jnp.float32),
            jax.ShapeDtypeStruct((n_tokens * TOPK,), jnp.int32),
            jax.ShapeDtypeStruct((NW * 16,), jnp.float32),
            jax.ShapeDtypeStruct((NW * 16,), jnp.float32),
        ),
        mesh=_sc_mesh,
        compiler_params=pltpu.CompilerParams(needs_layout_passes=False),
        scratch_types=[
            pltpu.VMEM((tpw * EXPERTS,), jnp.float32),
            pltpu.VMEM((tpw * TOPK,), jnp.float32),
            pltpu.VMEM((tpw * TOPK,), jnp.int32),
            pltpu.VMEM((2 * 16,), jnp.float32),
            pltpu.VMEM((16 * EXPERTS,), jnp.float32),
            pltpu.VMEM((16,), jnp.float32),
            pltpu.VMEM((16,), jnp.float32),
        ],
    )


def _combine_body(cnt_part_ref, ent_part_ref, cnt_ref, ent_ref):
    cnt_ref[...] = jnp.sum(cnt_part_ref[...], axis=0, keepdims=True)
    ent_ref[...] = jnp.broadcast_to(
        jnp.sum(ent_part_ref[...]) * (1.0 / TOKENS), (1, 16))


def _tc_combine(cnt_part, ent_part):
    return pl.pallas_call(
        _combine_body,
        out_shape=(
            jax.ShapeDtypeStruct((1, 16), jnp.float32),
            jax.ShapeDtypeStruct((1, 16), jnp.float32),
        ),
    )(cnt_part, ent_part)


_tc_scores = _make_tc_scores(TOKENS, 1024)
_sc_route = _make_sc_route(TOKENS)


def kernel(x, expert_bias, W, eps):
    biaseps = jnp.concatenate(
        [expert_bias, jnp.full((16,), eps, jnp.float32)])
    scores = _tc_scores(x, W.T)
    top_f, sel_f, cp, ep = _sc_route(scores.reshape(-1), biaseps)
    counts2, ent2 = _tc_combine(cp.reshape(NW, 16), ep.reshape(NW, 16))
    top_scores = top_f.reshape(TOKENS, TOPK)
    sel_idx = sel_f.reshape(TOKENS, TOPK)
    return top_scores, scores, sel_idx, counts2[0], ent2[0, 0]

# --- scband reference (transcript-rebuilt; emitter-appended) ---
"""Pipeline reference for scband-token-choice-top-krouter-32993938768150 (READ-ONLY COPY).

The authoritative reference and input builder live on the scoring server;
editing this copy changes nothing except your own understanding.
"""

import jax, jax.numpy as jnp
import numpy as np

TOKENS = 16384
HIDDEN = 2048
EXPERTS = 16
TOPK = 2


def setup_inputs(seed: int = 0) -> dict:
    key = jax.random.key(seed)
    k1, k2, k3 = jax.random.split(key, 3)
    x = jax.random.normal(k1, (TOKENS, HIDDEN), dtype=jnp.float32)
    expert_bias = jax.random.normal(k2, (EXPERTS,), dtype=jnp.float32) * 0.01
    # gate: nn.Linear(hidden_size, experts, bias=False) -> weight [experts, hidden]
    W = jax.random.normal(k3, (EXPERTS, HIDDEN), dtype=jnp.float32) * 0.02
    eps = jnp.float32(1e-20)
    return {"x": x, "expert_bias": expert_bias, "W": W, "eps": eps}


def reference(x, expert_bias, W, eps=1e-20):
    # scores = self.gate(x)
    scores = jnp.matmul(x, W.T)
    scores = jax.nn.sigmoid(scores.astype(jnp.float32))
    # expert_bias path: topk over biased scores, gather raw scores
    biased = scores + expert_bias[None, :]
    _, selected_experts_indices = jax.lax.top_k(biased, TOPK)
    top_scores = jnp.take_along_axis(scores, selected_experts_indices, axis=1)
    # normalize
    top_scores = top_scores / (jnp.sum(top_scores, axis=-1, keepdims=True) + eps)
    # entropy on detached scores
    detached = jax.lax.stop_gradient(top_scores)
    experts_entropy = jnp.mean(-jnp.sum(detached * jnp.log(detached), axis=-1))
    # torch.histc(idx, bins=E, min=0, max=E) over integer indices == bincount (float output)
    num_tokens_per_expert = jnp.bincount(
        selected_experts_indices.reshape(-1), length=EXPERTS
    ).astype(jnp.float32)
    return (top_scores, scores, selected_experts_indices, num_tokens_per_expert, experts_entropy)

if __name__ == "__main__":
    import jax
    _d = setup_inputs()
    print(jax.jit(kernel)(*tuple(_d.values())))

</pallas_src>

<mosaic_0001>
#map = affine_map<(d0, d1) -> (0)>
module attributes {stable_mosaic.version = 14 : i64} {
  func.func @_sc_route_body(%arg0: i32, %arg1: i32, %arg2: memref<262144xf32, #tpu.memory_space<hbm>>, %arg3: memref<32xf32, #tpu.memory_space<hbm>>, %arg4: memref<32768xf32, #tpu.memory_space<hbm>>, %arg5: memref<32768xi32, #tpu.memory_space<hbm>>, %arg6: memref<512xf32, #tpu.memory_space<hbm>>, %arg7: memref<512xf32, #tpu.memory_space<hbm>>, %arg8: memref<8192xf32, #tpu.memory_space<vmem>>, %arg9: memref<1024xf32, #tpu.memory_space<vmem>>, %arg10: memref<1024xi32, #tpu.memory_space<vmem>>, %arg11: memref<32xf32, #tpu.memory_space<vmem>>, %arg12: memref<256xf32, #tpu.memory_space<vmem>>, %arg13: memref<16xf32, #tpu.memory_space<vmem>>, %arg14: memref<16xf32, #tpu.memory_space<vmem>>) attributes {dimension_semantics = [#tpu.dimension_semantics<core_parallel>, #tpu.dimension_semantics<subcore_parallel>], iteration_bounds = array<i64: 2, 16>, scalar_prefetch = 0 : i64, scratch_operands = 7 : i64, tpu.core_type = #tpu.core_type<sc_vector_subcore>, window_params = [{transform_indices = #map}, {transform_indices = #map}, {transform_indices = #map}, {transform_indices = #map}, {transform_indices = #map}, {transform_indices = #map}]} {
    %mul3A = arith.constant 2 : i32
    %mul3A_0 = arith.muli %arg1, %mul3A : i32
    %add3A = arith.addi %mul3A_0, %arg0 : i32
    %mul3A_1 = arith.constant 512 : i32
    %mul3A_2 = arith.muli %add3A, %mul3A_1 : i32
    %mul3A_3 = arith.constant 16 : i32
    %mul3A_4 = arith.muli %mul3A_2, %mul3A_3 : i32
    "tpu.region"() ({
      %run_scoped3A = tpu.sem_alloc : memref<!tpu.dma_semaphore, #tpu.memory_space<semaphore_mem>>
      %dma_start3A = tpu.memref_slice %arg2[%mul3A_4] : memref<262144xf32, #tpu.memory_space<hbm>> -> memref<8192xf32, #tpu.memory_space<hbm>>
      %dma_start3A_107 = tpu.memref_slice %arg2[%mul3A_4] : memref<262144xf32, #tpu.memory_space<hbm>> -> memref<8192xf32, #tpu.memory_space<hbm>>
      tpu.enqueue_dma source(%dma_start3A_107 : memref<8192xf32, #tpu.memory_space<hbm>>) target(%arg8 : memref<8192xf32, #tpu.memory_space<vmem>>) target_semaphore(%run_scoped3A : memref<!tpu.dma_semaphore, #tpu.memory_space<semaphore_mem>>)
      %dma_wait3A = tpu.memref_slice %arg2[%mul3A_4] : memref<262144xf32, #tpu.memory_space<hbm>> -> memref<8192xf32, #tpu.memory_space<hbm>>
      %dma_wait3A_108 = tpu.memref_slice %arg2[%mul3A_4] : memref<262144xf32, #tpu.memory_space<hbm>> -> memref<8192xf32, #tpu.memory_space<hbm>>
      tpu.wait_dma2 semaphore(%run_scoped3A : memref<!tpu.dma_semaphore, #tpu.memory_space<semaphore_mem>>) src(%dma_wait3A_108 : memref<8192xf32, #tpu.memory_space<hbm>>) dst(%arg8 : memref<8192xf32, #tpu.memory_space<vmem>>)
      tpu.yield
    }) : () -> ()
    "tpu.region"() ({
      %run_scoped3A = tpu.sem_alloc : memref<!tpu.dma_semaphore, #tpu.memory_space<semaphore_mem>>
      tpu.enqueue_dma source(%arg3 : memref<32xf32, #tpu.memory_space<hbm>>) target(%arg11 : memref<32xf32, #tpu.memory_space<vmem>>) target_semaphore(%run_scoped3A : memref<!tpu.dma_semaphore, #tpu.memory_space<semaphore_mem>>)
      tpu.wait_dma2 semaphore(%run_scoped3A : memref<!tpu.dma_semaphore, #tpu.memory_space<semaphore_mem>>) src(%arg3 : memref<32xf32, #tpu.memory_space<hbm>>) dst(%arg11 : memref<32xf32, #tpu.memory_space<vmem>>)
      tpu.yield
    }) : () -> ()
    %broadcast_in_dim3A = arith.constant 0.000000e+00 : f32
    %broadcast_in_dim3A_5 = vector.broadcast %broadcast_in_dim3A : f32 to vector<16xf32>
    %swap3A = arith.constant 0 : index
    %swap3A_6 = tpu.vector_load %arg12[%swap3A] {strides = array<i32>} : memref<256xf32, #tpu.memory_space<vmem>>, vector<16xf32>,
    tpu.vector_store %arg12[%swap3A], %broadcast_in_dim3A_5 {strides = array<i32>} : memref<256xf32, #tpu.memory_space<vmem>>, vector<16xf32>,
    %swap3A_7 = arith.constant 16 : index
    %swap3A_8 = tpu.vector_load %arg12[%swap3A_7] {strides = array<i32>} : memref<256xf32, #tpu.memory_space<vmem>>, vector<16xf32>,
    tpu.vector_store %arg12[%swap3A_7], %broadcast_in_dim3A_5 {strides = array<i32>} : memref<256xf32, #tpu.memory_space<vmem>>, vector<16xf32>,
    %swap3A_9 = arith.constant 32 : index
    %swap3A_10 = tpu.vector_load %arg12[%swap3A_9] {strides = array<i32>} : memref<256xf32, #tpu.memory_space<vmem>>, vector<16xf32>,
    tpu.vector_store %arg12[%swap3A_9], %broadcast_in_dim3A_5 {strides = array<i32>} : memref<256xf32, #tpu.memory_space<vmem>>, vector<16xf32>,
    %swap3A_11 = arith.constant 48 : index
    %swap3A_12 = tpu.vector_load %arg12[%swap3A_11] {strides = array<i32>} : memref<256xf32, #tpu.memory_space<vmem>>, vector<16xf32>,
    tpu.vector_store %arg12[%swap3A_11], %broadcast_in_dim3A_5 {strides = array<i32>} : memref<256xf32, #tpu.memory_space<vmem>>, vector<16xf32>,
    %swap3A_13 = arith.constant 64 : index
    %swap3A_14 = tpu.vector_load %arg12[%swap3A_13] {strides = array<i32>} : memref<256xf32, #tpu.memory_space<vmem>>, vector<16xf32>,
    tpu.vector_store %arg12[%swap3A_13], %broadcast_in_dim3A_5 {strides = array<i32>} : memref<256xf32, #tpu.memory_space<vmem>>, vector<16xf32>,
    %swap3A_15 = arith.constant 80 : index
    %swap3A_16 = tpu.vector_load %arg12[%swap3A_15] {strides = array<i32>} : memref<256xf32, #tpu.memory_space<vmem>>, vector<16xf32>,
    tpu.vector_store %arg12[%swap3A_15], %broadcast_in_dim3A_5 {strides = array<i32>} : memref<256xf32, #tpu.memory_space<vmem>>, vector<16xf32>,
    %swap3A_17 = arith.constant 96 : index
    %swap3A_18 = tpu.vector_load %arg12[%swap3A_17] {strides = array<i32>} : memref<256xf32, #tpu.memory_space<vmem>>, vector<16xf32>,
    tpu.vector_store %arg12[%swap3A_17], %broadcast_in_dim3A_5 {strides = array<i32>} : memref<256xf32, #tpu.memory_space<vmem>>, vector<16xf32>,
    %swap3A_19 = arith.constant 112 : index
    %swap3A_20 = tpu.vector_load %arg12[%swap3A_19] {strides = array<i32>} : memref<256xf32, #tpu.memory_space<vmem>>, vector<16xf32>,
    tpu.vector_store %arg12[%swap3A_19], %broadcast_in_dim3A_5 {strides = array<i32>} : memref<256xf32, #tpu.memory_space<vmem>>, vector<16xf32>,
    %swap3A_21 = arith.constant 128 : index
    %swap3A_22 = tpu.vector_load %arg12[%swap3A_21] {strides = array<i32>} : memref<256xf32, #tpu.memory_space<vmem>>, vector<16xf32>,
    tpu.vector_store %arg12[%swap3A_21], %broadcast_in_dim3A_5 {strides = array<i32>} : memref<256xf32, #tpu.memory_space<vmem>>, vector<16xf32>,
    %swap3A_23 = arith.constant 144 : index
    %swap3A_24 = tpu.vector_load %arg12[%swap3A_23] {strides = array<i32>} : memref<256xf32, #tpu.memory_space<vmem>>, vector<16xf32>,
    tpu.vector_store %arg12[%swap3A_23], %broadcast_in_dim3A_5 {strides = array<i32>} : memref<256xf32, #tpu.memory_space<vmem>>, vector<16xf32>,
    %swap3A_25 = arith.constant 160 : index
    %swap3A_26 = tpu.vector_load %arg12[%swap3A_25] {strides = array<i32>} : memref<256xf32, #tpu.memory_space<vmem>>, vector<16xf32>,
    tpu.vector_store %arg12[%swap3A_25], %broadcast_in_dim3A_5 {strides = array<i32>} : memref<256xf32, #tpu.memory_space<vmem>>, vector<16xf32>,
    %swap3A_27 = arith.constant 176 : index
    %swap3A_28 = tpu.vector_load %arg12[%swap3A_27] {strides = array<i32>} : memref<256xf32, #tpu.memory_space<vmem>>, vector<16xf32>,
    tpu.vector_store %arg12[%swap3A_27], %broadcast_in_dim3A_5 {strides = array<i32>} : memref<256xf32, #tpu.memory_space<vmem>>, vector<16xf32>,
    %swap3A_29 = arith.constant 192 : index
    %swap3A_30 = tpu.vector_load %arg12[%swap3A_29] {strides = array<i32>} : memref<256xf32, #tpu.memory_space<vmem>>, vector<16xf32>,
    tpu.vector_store %arg12[%swap3A_29], %broadcast_in_dim3A_5 {strides = array<i32>} : memref<256xf32, #tpu.memory_space<vmem>>, vector<16xf32>,
    %swap3A_31 = arith.constant 208 : index
    %swap3A_32 = tpu.vector_load %arg12[%swap3A_31] {strides = array<i32>} : memref<256xf32, #tpu.memory_space<vmem>>, vector<16xf32>,
    tpu.vector_store %arg12[%swap3A_31], %broadcast_in_dim3A_5 {strides = array<i32>} : memref<256xf32, #tpu.memory_space<vmem>>, vector<16xf32>,
    %swap3A_33 = arith.constant 224 : index
    %swap3A_34 = tpu.vector_load %arg12[%swap3A_33] {strides = array<i32>} : memref<256xf32, #tpu.memory_space<vmem>>, vector<16xf32>,
    tpu.vector_store %arg12[%swap3A_33], %broadcast_in_dim3A_5 {strides = array<i32>} : memref<256xf32, #tpu.memory_space<vmem>>, vector<16xf32>,
    %swap3A_35 = arith.constant 240 : index
    %swap3A_36 = tpu.vector_load %arg12[%swap3A_35] {strides = array<i32>} : memref<256xf32, #tpu.memory_space<vmem>>, vector<16xf32>,
    tpu.vector_store %arg12[%swap3A_35], %broadcast_in_dim3A_5 {strides = array<i32>} : memref<256xf32, #tpu.memory_space<vmem>>, vector<16xf32>,
    %swap3A_37 = arith.constant 0 : index
    %swap3A_38 = tpu.vector_load %arg14[%swap3A_37] {strides = array<i32>} : memref<16xf32, #tpu.memory_space<vmem>>, vector<16xf32>,
    tpu.vector_store %arg14[%swap3A_37], %broadcast_in_dim3A_5 {strides = array<i32>} : memref<16xf32, #tpu.memory_space<vmem>>, vector<16xf32>,
    %iota3A = tpu.iota {dimensions = array<i32: 0>} : vector<16xi32>
    %broadcast_in_dim3A_39 = arith.constant 1.000000e+00 : f32
    %broadcast_in_dim3A_40 = vector.broadcast %broadcast_in_dim3A_39 : f32 to vector<16xf32>
    %broadcast_in_dim3A_41 = arith.constant 0xFF800000 : f32
    %broadcast_in_dim3A_42 = vector.broadcast %broadcast_in_dim3A_41 : f32 to vector<16xf32>
    %get3A = arith.constant 0 : index
    %get3A_43 = tpu.vector_load %arg11[%get3A] {strides = array<i32>} : memref<32xf32, #tpu.memory_space<vmem>>, vector<16xf32>,
    %get3A_44 = arith.constant 16 : index
    %get3A_45 = tpu.vector_load %arg11[%get3A_44] {strides = array<i32>} : memref<32xf32, #tpu.memory_space<vmem>>, vector<16xf32>,
    %slice3A = vector.extract_strided_slice %get3A_45 {offsets = [0], sizes = [1], strides = [1]} : vector<16xf32> to vector<1xf32>
    %squeeze3A = vector.extract %slice3A[0] : f32 from vector<1xf32>
    %scan3A = arith.constant 0 : i32
    %scan3A_46 = arith.constant 32 : i32
    %scan3A_47 = arith.addi %scan3A, %scan3A_46 : i32
    %scan3A_48 = arith.constant 1 : i32
    scf.for %scan3A_107 = %scan3A to %scan3A_47 step %scan3A_48  : i32 {
      %mul3A_108 = arith.constant 1 : i32
      %mul3A_109 = arith.muli %scan3A_107, %mul3A_108 : i32
      %add3A_110 = arith.constant 0 : i32
      %add3A_111 = arith.addi %add3A_110, %mul3A_109 : i32
      %mul3A_112 = arith.constant 16 : i32
      %mul3A_113 = arith.muli %add3A_111, %mul3A_112 : i32
      %add3A_114 = vector.broadcast %mul3A_113 : i32 to vector<16xi32>
      %add3A_115 = arith.addi %add3A_114, %iota3A : vector<16xi32>
      %mul3A_116 = arith.constant 16 : i32
      %mul3A_117 = vector.broadcast %mul3A_116 : i32 to vector<16xi32>
      %mul3A_118 = arith.muli %add3A_115, %mul3A_117 : vector<16xi32>
      %add3A_119 = arith.constant 0 : i32
      %add3A_120 = vector.broadcast %add3A_119 : i32 to vector<16xi32>
      %add3A_121 = arith.addi %mul3A_118, %add3A_120 : vector<16xi32>
      %gather3A = tpu.vector_load_idx %arg8[%add3A_121] : memref<8192xf32, #tpu.memory_space<vmem>>[vector<16xi32>], vector<16xf32>,
      %slice3A_122 = vector.extract_strided_slice %get3A_43 {offsets = [0], sizes = [1], strides = [1]} : vector<16xf32> to vector<1xf32>
      %squeeze3A_123 = vector.extract %slice3A_122[0] : f32 from vector<1xf32>
      %add3A_124 = vector.broadcast %squeeze3A_123 : f32 to vector<16xf32>
      %add3A_125 = arith.addf %gather3A, %add3A_124 : vector<16xf32>
      %add3A_126 = arith.constant 1 : i32
      %add3A_127 = vector.broadcast %add3A_126 : i32 to vector<16xi32>
      %add3A_128 = arith.addi %mul3A_118, %add3A_127 : vector<16xi32>
      %gather3A_129 = tpu.vector_load_idx %arg8[%add3A_128] : memref<8192xf32, #tpu.memory_space<vmem>>[vector<16xi32>], vector<16xf32>,
      %slice3A_130 = vector.extract_strided_slice %get3A_43 {offsets = [1], sizes = [1], strides = [1]} : vector<16xf32> to vector<1xf32>
      %squeeze3A_131 = vector.extract %slice3A_130[0] : f32 from vector<1xf32>
      %add3A_132 = vector.broadcast %squeeze3A_131 : f32 to vector<16xf32>
      %add3A_133 = arith.addf %gather3A_129, %add3A_132 : vector<16xf32>
      %add3A_134 = arith.constant 2 : i32
      %add3A_135 = vector.broadcast %add3A_134 : i32 to vector<16xi32>
      %add3A_136 = arith.addi %mul3A_118, %add3A_135 : vector<16xi32>
      %gather3A_137 = tpu.vector_load_idx %arg8[%add3A_136] : memref<8192xf32, #tpu.memory_space<vmem>>[vector<16xi32>], vector<16xf32>,
      %slice3A_138 = vector.extract_strided_slice %get3A_43 {offsets = [2], sizes = [1], strides = [1]} : vector<16xf32> to vector<1xf32>
      %squeeze3A_139 = vector.extract %slice3A_138[0] : f32 from vector<1xf32>
      %add3A_140 = vector.broadcast %squeeze3A_139 : f32 to vector<16xf32>
      %add3A_141 = arith.addf %gather3A_137, %add3A_140 : vector<16xf32>
      %add3A_142 = arith.constant 3 : i32
      %add3A_143 = vector.broadcast %add3A_142 : i32 to vector<16xi32>
      %add3A_144 = arith.addi %mul3A_118, %add3A_143 : vector<16xi32>
      %gather3A_145 = tpu.vector_load_idx %arg8[%add3A_144] : memref<8192xf32, #tpu.memory_space<vmem>>[vector<16xi32>], vector<16xf32>,
      %slice3A_146 = vector.extract_strided_slice %get3A_43 {offsets = [3], sizes = [1], strides = [1]} : vector<16xf32> to vector<1xf32>
      %squeeze3A_147 = vector.extract %slice3A_146[0] : f32 from vector<1xf32>
      %add3A_148 = vector.broadcast %squeeze3A_147 : f32 to vector<16xf32>
      %add3A_149 = arith.addf %gather3A_145, %add3A_148 : vector<16xf32>
      %add3A_150 = arith.constant 4 : i32
      %add3A_151 = vector.broadcast %add3A_150 : i32 to vector<16xi32>
      %add3A_152 = arith.addi %mul3A_118, %add3A_151 : vector<16xi32>
      %gather3A_153 = tpu.vector_load_idx %arg8[%add3A_152] : memref<8192xf32, #tpu.memory_space<vmem>>[vector<16xi32>], vector<16xf32>,
      %slice3A_154 = vector.extract_strided_slice %get3A_43 {offsets = [4], sizes = [1], strides = [1]} : vector<16xf32> to vector<1xf32>
      %squeeze3A_155 = vector.extract %slice3A_154[0] : f32 from vector<1xf32>
      %add3A_156 = vector.broadcast %squeeze3A_155 : f32 to vector<16xf32>
      %add3A_157 = arith.addf %gather3A_153, %add3A_156 : vector<16xf32>
      %add3A_158 = arith.constant 5 : i32
      %add3A_159 = vector.broadcast %add3A_158 : i32 to vector<16xi32>
      %add3A_160 = arith.addi %mul3A_118, %add3A_159 : vector<16xi32>
      %gather3A_161 = tpu.vector_load_idx %arg8[%add3A_160] : memref<8192xf32, #tpu.memory_space<vmem>>[vector<16xi32>], vector<16xf32>,
      %slice3A_162 = vector.extract_strided_slice %get3A_43 {offsets = [5], sizes = [1], strides = [1]} : vector<16xf32> to vector<1xf32>
      %squeeze3A_163 = vector.extract %slice3A_162[0] : f32 from vector<1xf32>
      %add3A_164 = vector.broadcast %squeeze3A_163 : f32 to vector<16xf32>
      %add3A_165 = arith.addf %gather3A_161, %add3A_164 : vector<16xf32>
      %add3A_166 = arith.constant 6 : i32
      %add3A_167 = vector.broadcast %add3A_166 : i32 to vector<16xi32>
      %add3A_168 = arith.addi %mul3A_118, %add3A_167 : vector<16xi32>
      %gather3A_169 = tpu.vector_load_idx %arg8[%add3A_168] : memref<8192xf32, #tpu.memory_space<vmem>>[vector<16xi32>], vector<16xf32>,
      %slice3A_170 = vector.extract_strided_slice %get3A_43 {offsets = [6], sizes = [1], strides = [1]} : vector<16xf32> to vector<1xf32>
      %squeeze3A_171 = vector.extract %slice3A_170[0] : f32 from vector<1xf32>
      %add3A_172 = vector.broadcast %squeeze3A_171 : f32 to vector<16xf32>
      %add3A_173 = arith.addf %gather3A_169, %add3A_172 : vector<16xf32>
      %add3A_174 = arith.constant 7 : i32
      %add3A_175 = vector.broadcast %add3A_174 : i32 to vector<16xi32>
      %add3A_176 = arith.addi %mul3A_118, %add3A_175 : vector<16xi32>
      %gather3A_177 = tpu.vector_load_idx %arg8[%add3A_176] : memref<8192xf32, #tpu.memory_space<vmem>>[vector<16xi32>], vector<16xf32>,
      %slice3A_178 = vector.extract_strided_slice %get3A_43 {offsets = [7], sizes = [1], strides = [1]} : vector<16xf32> to vector<1xf32>
      %squeeze3A_179 = vector.extract %slice3A_178[0] : f32 from vector<1xf32>
      %add3A_180 = vector.broadcast %squeeze3A_179 : f32 to vector<16xf32>
      %add3A_181 = arith.addf %gather3A_177, %add3A_180 : vector<16xf32>
      %add3A_182 = arith.constant 8 : i32
      %add3A_183 = vector.broadcast %add3A_182 : i32 to vector<16xi32>
      %add3A_184 = arith.addi %mul3A_118, %add3A_183 : vector<16xi32>
      %gather3A_185 = tpu.vector_load_idx %arg8[%add3A_184] : memref<8192xf32, #tpu.memory_space<vmem>>[vector<16xi32>], vector<16xf32>,
      %slice3A_186 = vector.extract_strided_slice %get3A_43 {offsets = [8], sizes = [1], strides = [1]} : vector<16xf32> to vector<1xf32>
      %squeeze3A_187 = vector.extract %slice3A_186[0] : f32 from vector<1xf32>
      %add3A_188 = vector.broadcast %squeeze3A_187 : f32 to vector<16xf32>
      %add3A_189 = arith.addf %gather3A_185, %add3A_188 : vector<16xf32>
      %add3A_190 = arith.constant 9 : i32
      %add3A_191 = vector.broadcast %add3A_190 : i32 to vector<16xi32>
      %add3A_192 = arith.addi %mul3A_118, %add3A_191 : vector<16xi32>
      %gather3A_193 = tpu.vector_load_idx %arg8[%add3A_192] : memref<8192xf32, #tpu.memory_space<vmem>>[vector<16xi32>], vector<16xf32>,
      %slice3A_194 = vector.extract_strided_slice %get3A_43 {offsets = [9], sizes = [1], strides = [1]} : vector<16xf32> to vector<1xf32>
      %squeeze3A_195 = vector.extract %slice3A_194[0] : f32 from vector<1xf32>
      %add3A_196 = vector.broadcast %squeeze3A_195 : f32 to vector<16xf32>
      %add3A_197 = arith.addf %gather3A_193, %add3A_196 : vector<16xf32>
      %add3A_198 = arith.constant 10 : i32
      %add3A_199 = vector.broadcast %add3A_198 : i32 to vector<16xi32>
      %add3A_200 = arith.addi %mul3A_118, %add3A_199 : vector<16xi32>
      %gather3A_201 = tpu.vector_load_idx %arg8[%add3A_200] : memref<8192xf32, #tpu.memory_space<vmem>>[vector<16xi32>], vector<16xf32>,
      %slice3A_202 = vector.extract_strided_slice %get3A_43 {offsets = [10], sizes = [1], strides = [1]} : vector<16xf32> to vector<1xf32>
      %squeeze3A_203 = vector.extract %slice3A_202[0] : f32 from vector<1xf32>
      %add3A_204 = vector.broadcast %squeeze3A_203 : f32 to vector<16xf32>
      %add3A_205 = arith.addf %gather3A_201, %add3A_204 : vector<16xf32>
      %add3A_206 = arith.constant 11 : i32
      %add3A_207 = vector.broadcast %add3A_206 : i32 to vector<16xi32>
      %add3A_208 = arith.addi %mul3A_118, %add3A_207 : vector<16xi32>
      %gather3A_209 = tpu.vector_load_idx %arg8[%add3A_208] : memref<8192xf32, #tpu.memory_space<vmem>>[vector<16xi32>], vector<16xf32>,
      %slice3A_210 = vector.extract_strided_slice %get3A_43 {offsets = [11], sizes = [1], strides = [1]} : vector<16xf32> to vector<1xf32>
      %squeeze3A_211 = vector.extract %slice3A_210[0] : f32 from vector<1xf32>
      %add3A_212 = vector.broadcast %squeeze3A_211 : f32 to vector<16xf32>
      %add3A_213 = arith.addf %gather3A_209, %add3A_212 : vector<16xf32>
      %add3A_214 = arith.constant 12 : i32
      %add3A_215 = vector.broadcast %add3A_214 : i32 to vector<16xi32>
      %add3A_216 = arith.addi %mul3A_118, %add3A_215 : vector<16xi32>
      %gather3A_217 = tpu.vector_load_idx %arg8[%add3A_216] : memref<8192xf32, #tpu.memory_space<vmem>>[vector<16xi32>], vector<16xf32>,
      %slice3A_218 = vector.extract_strided_slice %get3A_43 {offsets = [12], sizes = [1], strides = [1]} : vector<16xf32> to vector<1xf32>
      %squeeze3A_219 = vector.extract %slice3A_218[0] : f32 from vector<1xf32>
      %add3A_220 = vector.broadcast %squeeze3A_219 : f32 to vector<16xf32>
      %add3A_221 = arith.addf %gather3A_217, %add3A_220 : vector<16xf32>
      %add3A_222 = arith.constant 13 : i32
      %add3A_223 = vector.broadcast %add3A_222 : i32 to vector<16xi32>
      %add3A_224 = arith.addi %mul3A_118, %add3A_223 : vector<16xi32>
      %gather3A_225 = tpu.vector_load_idx %arg8[%add3A_224] : memref<8192xf32, #tpu.memory_space<vmem>>[vector<16xi32>], vector<16xf32>,
      %slice3A_226 = vector.extract_strided_slice %get3A_43 {offsets = [13], sizes = [1], strides = [1]} : vector<16xf32> to vector<1xf32>
      %squeeze3A_227 = vector.extract %slice3A_226[0] : f32 from vector<1xf32>
      %add3A_228 = vector.broadcast %squeeze3A_227 : f32 to vector<16xf32>
      %add3A_229 = arith.addf %gather3A_225, %add3A_228 : vector<16xf32>
      %add3A_230 = arith.constant 14 : i32
      %add3A_231 = vector.broadcast %add3A_230 : i32 to vector<16xi32>
      %add3A_232 = arith.addi %mul3A_118, %add3A_231 : vector<16xi32>
      %gather3A_233 = tpu.vector_load_idx %arg8[%add3A_232] : memref<8192xf32, #tpu.memory_space<vmem>>[vector<16xi32>], vector<16xf32>,
      %slice3A_234 = vector.extract_strided_slice %get3A_43 {offsets = [14], sizes = [1], strides = [1]} : vector<16xf32> to vector<1xf32>
      %squeeze3A_235 = vector.extract %slice3A_234[0] : f32 from vector<1xf32>
      %add3A_236 = vector.broadcast %squeeze3A_235 : f32 to vector<16xf32>
      %add3A_237 = arith.addf %gather3A_233, %add3A_236 : vector<16xf32>
      %add3A_238 = arith.constant 15 : i32
      %add3A_239 = vector.broadcast %add3A_238 : i32 to vector<16xi32>
      %add3A_240 = arith.addi %mul3A_118, %add3A_239 : vector<16xi32>
      %gather3A_241 = tpu.vector_load_idx %arg8[%add3A_240] : memref<8192xf32, #tpu.memory_space<vmem>>[vector<16xi32>], vector<16xf32>,
      %slice3A_242 = vector.extract_strided_slice %get3A_43 {offsets = [15], sizes = [1], strides = [1]} : vector<16xf32> to vector<1xf32>
      %squeeze3A_243 = vector.extract %slice3A_242[0] : f32 from vector<1xf32>
      %add3A_244 = vector.broadcast %squeeze3A_243 : f32 to vector<16xf32>
      %add3A_245 = arith.addf %gather3A_241, %add3A_244 : vector<16xf32>
      %max3A = arith.maximumf %add3A_125, %add3A_133 : vector<16xf32>
      %max3A_246 = arith.maximumf %max3A, %add3A_141 : vector<16xf32>
      %max3A_247 = arith.maximumf %max3A_246, %add3A_149 : vector<16xf32>
      %max3A_248 = arith.maximumf %max3A_247, %add3A_157 : vector<16xf32>
      %max3A_249 = arith.maximumf %max3A_248, %add3A_165 : vector<16xf32>
      %max3A_250 = arith.maximumf %max3A_249, %add3A_173 : vector<16xf32>
      %max3A_251 = arith.maximumf %max3A_250, %add3A_181 : vector<16xf32>
      %max3A_252 = arith.maximumf %max3A_251, %add3A_189 : vector<16xf32>
      %max3A_253 = arith.maximumf %max3A_252, %add3A_197 : vector<16xf32>
      %max3A_254 = arith.maximumf %max3A_253, %add3A_205 : vector<16xf32>
      %max3A_255 = arith.maximumf %max3A_254, %add3A_213 : vector<16xf32>
      %max3A_256 = arith.maximumf %max3A_255, %add3A_221 : vector<16xf32>
      %max3A_257 = arith.maximumf %max3A_256, %add3A_229 : vector<16xf32>
      %max3A_258 = arith.maximumf %max3A_257, %add3A_237 : vector<16xf32>
      %max3A_259 = arith.maximumf %max3A_258, %add3A_245 : vector<16xf32>
      %broadcast_in_dim3A_260 = arith.constant 15 : i32
      %broadcast_in_dim3A_261 = vector.broadcast %broadcast_in_dim3A_260 : i32 to vector<16xi32>
      %eq3A = arith.cmpf oeq, %add3A_237, %max3A_259 : vector<16xf32>
      %broadcast_in_dim3A_262 = arith.constant 14 : i32
      %broadcast_in_dim3A_263 = vector.broadcast %broadcast_in_dim3A_262 : i32 to vector<16xi32>
      %select_n3A = arith.select %eq3A, %broadcast_in_dim3A_263, %broadcast_in_dim3A_261 : vector<16xi1>, vector<16xi32>
      %eq3A_264 = arith.cmpf oeq, %add3A_229, %max3A_259 : vector<16xf32>
      %broadcast_in_dim3A_265 = arith.constant 13 : i32
      %broadcast_in_dim3A_266 = vector.broadcast %broadcast_in_dim3A_265 : i32 to vector<16xi32>
      %select_n3A_267 = arith.select %eq3A_264, %broadcast_in_dim3A_266, %select_n3A : vector<16xi1>, vector<16xi32>
      %eq3A_268 = arith.cmpf oeq, %add3A_221, %max3A_259 : vector<16xf32>
      %broadcast_in_dim3A_269 = arith.constant 12 : i32
      %broadcast_in_dim3A_270 = vector.broadcast %broadcast_in_dim3A_269 : i32 to vector<16xi32>
      %select_n3A_271 = arith.select %eq3A_268, %broadcast_in_dim3A_270, %select_n3A_267 : vector<16xi1>, vector<16xi32>
      %eq3A_272 = arith.cmpf oeq, %add3A_213, %max3A_259 : vector<16xf32>
      %broadcast_in_dim3A_273 = arith.constant 11 : i32
      %broadcast_in_dim3A_274 = vector.broadcast %broadcast_in_dim3A_273 : i32 to vector<16xi32>
      %select_n3A_275 = arith.select %eq3A_272, %broadcast_in_dim3A_274, %select_n3A_271 : vector<16xi1>, vector<16xi32>
      %eq3A_276 = arith.cmpf oeq, %add3A_205, %max3A_259 : vector<16xf32>
      %broadcast_in_dim3A_277 = arith.constant 10 : i32
      %broadcast_in_dim3A_278 = vector.broadcast %broadcast_in_dim3A_277 : i32 to vector<16xi32>
      %select_n3A_279 = arith.select %eq3A_276, %broadcast_in_dim3A_278, %select_n3A_275 : vector<16xi1>, vector<16xi32>
      %eq3A_280 = arith.cmpf oeq, %add3A_197, %max3A_259 : vector<16xf32>
      %broadcast_in_dim3A_281 = arith.constant 9 : i32
      %broadcast_in_dim3A_282 = vector.broadcast %broadcast_in_dim3A_281 : i32 to vector<16xi32>
      %select_n3A_283 = arith.select %eq3A_280, %broadcast_in_dim3A_282, %select_n3A_279 : vector<16xi1>, vector<16xi32>
      %eq3A_284 = arith.cmpf oeq, %add3A_189, %max3A_259 : vector<16xf32>
      %broadcast_in_dim3A_285 = arith.constant 8 : i32
      %broadcast_in_dim3A_286 = vector.broadcast %broadcast_in_dim3A_285 : i32 to vector<16xi32>
      %select_n3A_287 = arith.select %eq3A_284, %broadcast_in_dim3A_286, %select_n3A_283 : vector<16xi1>, vector<16xi32>
      %eq3A_288 = arith.cmpf oeq, %add3A_181, %max3A_259 : vector<16xf32>
      %broadcast_in_dim3A_289 = arith.constant 7 : i32
      %broadcast_in_dim3A_290 = vector.broadcast %broadcast_in_dim3A_289 : i32 to vector<16xi32>
      %select_n3A_291 = arith.select %eq3A_288, %broadcast_in_dim3A_290, %select_n3A_287 : vector<16xi1>, vector<16xi32>
      %eq3A_292 = arith.cmpf oeq, %add3A_173, %max3A_259 : vector<16xf32>
      %broadcast_in_dim3A_293 = arith.constant 6 : i32
      %broadcast_in_dim3A_294 = vector.broadcast %broadcast_in_dim3A_293 : i32 to vector<16xi32>
      %select_n3A_295 = arith.select %eq3A_292, %broadcast_in_dim3A_294, %select_n3A_291 : vector<16xi1>, vector<16xi32>
      %eq3A_296 = arith.cmpf oeq, %add3A_165, %max3A_259 : vector<16xf32>
      %broadcast_in_dim3A_297 = arith.constant 5 : i32
      %broadcast_in_dim3A_298 = vector.broadcast %broadcast_in_dim3A_297 : i32 to vector<16xi32>
      %select_n3A_299 = arith.select %eq3A_296, %broadcast_in_dim3A_298, %select_n3A_295 : vector<16xi1>, vector<16xi32>
      %eq3A_300 = arith.cmpf oeq, %add3A_157, %max3A_259 : vector<16xf32>
      %broadcast_in_dim3A_301 = arith.constant 4 : i32
      %broadcast_in_dim3A_302 = vector.broadcast %broadcast_in_dim3A_301 : i32 to vector<16xi32>
      %select_n3A_303 = arith.select %eq3A_300, %broadcast_in_dim3A_302, %select_n3A_299 : vector<16xi1>, vector<16xi32>
      %eq3A_304 = arith.cmpf oeq, %add3A_149, %max3A_259 : vector<16xf32>
      %broadcast_in_dim3A_305 = arith.constant 3 : i32
      %broadcast_in_dim3A_306 = vector.broadcast %broadcast_in_dim3A_305 : i32 to vector<16xi32>
      %select_n3A_307 = arith.select %eq3A_304, %broadcast_in_dim3A_306, %select_n3A_303 : vector<16xi1>, vector<16xi32>
      %eq3A_308 = arith.cmpf oeq, %add3A_141, %max3A_259 : vector<16xf32>
      %broadcast_in_dim3A_309 = arith.constant 2 : i32
      %broadcast_in_dim3A_310 = vector.broadcast %broadcast_in_dim3A_309 : i32 to vector<16xi32>
      %select_n3A_311 = arith.select %eq3A_308, %broadcast_in_dim3A_310, %select_n3A_307 : vector<16xi1>, vector<16xi32>
      %eq3A_312 = arith.cmpf oeq, %add3A_133, %max3A_259 : vector<16xf32>
      %broadcast_in_dim3A_313 = arith.constant 1 : i32
      %broadcast_in_dim3A_314 = vector.broadcast %broadcast_in_dim3A_313 : i32 to vector<16xi32>
      %select_n3A_315 = arith.select %eq3A_312, %broadcast_in_dim3A_314, %select_n3A_311 : vector<16xi1>, vector<16xi32>
      %eq3A_316 = arith.cmpf oeq, %add3A_125, %max3A_259 : vector<16xf32>
      %broadcast_in_dim3A_317 = arith.constant 0 : i32
      %broadcast_in_dim3A_318 = vector.broadcast %broadcast_in_dim3A_317 : i32 to vector<16xi32>
      %select_n3A_319 = arith.select %eq3A_316, %broadcast_in_dim3A_318, %select_n3A_315 : vector<16xi1>, vector<16xi32>
      %gather3A_320 = tpu.vector_load_idx %arg11[%select_n3A_319] : memref<32xf32, #tpu.memory_space<vmem>>[vector<16xi32>], vector<16xf32>,
      %sub3A = arith.subf %max3A_259, %gather3A_320 : vector<16xf32>
      %eq3A_321 = arith.constant 0 : i32
      %eq3A_322 = vector.broadcast %eq3A_321 : i32 to vector<16xi32>
      %eq3A_323 = arith.cmpi eq, %select_n3A_319, %eq3A_322 : vector<16xi32>
      %select_n3A_324 = arith.select %eq3A_323, %broadcast_in_dim3A_42, %add3A_125 : vector<16xi1>, vector<16xf32>
      %eq3A_325 = arith.constant 1 : i32
      %eq3A_326 = vector.broadcast %eq3A_325 : i32 to vector<16xi32>
      %eq3A_327 = arith.cmpi eq, %select_n3A_319, %eq3A_326 : vector<16xi32>
      %select_n3A_328 = arith.select %eq3A_327, %broadcast_in_dim3A_42, %add3A_133 : vector<16xi1>, vector<16xf32>
      %eq3A_329 = arith.constant 2 : i32
      %eq3A_330 = vector.broadcast %eq3A_329 : i32 to vector<16xi32>
      %eq3A_331 = arith.cmpi eq, %select_n3A_319, %eq3A_330 : vector<16xi32>
      %select_n3A_332 = arith.select %eq3A_331, %broadcast_in_dim3A_42, %add3A_141 : vector<16xi1>, vector<16xf32>
      %eq3A_333 = arith.constant 3 : i32
      %eq3A_334 = vector.broadcast %eq3A_333 : i32 to vector<16xi32>
      %eq3A_335 = arith.cmpi eq, %select_n3A_319, %eq3A_334 : vector<16xi32>
      %select_n3A_336 = arith.select %eq3A_335, %broadcast_in_dim3A_42, %add3A_149 : vector<16xi1>, vector<16xf32>
      %eq3A_337 = arith.constant 4 : i32
      %eq3A_338 = vector.broadcast %eq3A_337 : i32 to vector<16xi32>
      %eq3A_339 = arith.cmpi eq, %select_n3A_319, %eq3A_338 : vector<16xi32>
      %select_n3A_340 = arith.select %eq3A_339, %broadcast_in_dim3A_42, %add3A_157 : vector<16xi1>, vector<16xf32>
      %eq3A_341 = arith.constant 5 : i32
      %eq3A_342 = vector.broadcast %eq3A_341 : i32 to vector<16xi32>
      %eq3A_343 = arith.cmpi eq, %select_n3A_319, %eq3A_342 : vector<16xi32>
      %select_n3A_344 = arith.select %eq3A_343, %broadcast_in_dim3A_42, %add3A_165 : vector<16xi1>, vector<16xf32>
      %eq3A_345 = arith.constant 6 : i32
      %eq3A_346 = vector.broadcast %eq3A_345 : i32 to vector<16xi32>
      %eq3A_347 = arith.cmpi eq, %select_n3A_319, %eq3A_346 : vector<16xi32>
      %select_n3A_348 = arith.select %eq3A_347, %broadcast_in_dim3A_42, %add3A_173 : vector<16xi1>, vector<16xf32>
      %eq3A_349 = arith.constant 7 : i32
      %eq3A_350 = vector.broadcast %eq3A_349 : i32 to vector<16xi32>
      %eq3A_351 = arith.cmpi eq, %select_n3A_319, %eq3A_350 : vector<16xi32>
      %select_n3A_352 = arith.select %eq3A_351, %broadcast_in_dim3A_42, %add3A_181 : vector<16xi1>, vector<16xf32>
      %eq3A_353 = arith.constant 8 : i32
      %eq3A_354 = vector.broadcast %eq3A_353 : i32 to vector<16xi32>
      %eq3A_355 = arith.cmpi eq, %select_n3A_319, %eq3A_354 : vector<16xi32>
      %select_n3A_356 = arith.select %eq3A_355, %broadcast_in_dim3A_42, %add3A_189 : vector<16xi1>, vector<16xf32>
      %eq3A_357 = arith.constant 9 : i32
      %eq3A_358 = vector.broadcast %eq3A_357 : i32 to vector<16xi32>
      %eq3A_359 = arith.cmpi eq, %select_n3A_319, %eq3A_358 : vector<16xi32>
      %select_n3A_360 = arith.select %eq3A_359, %broadcast_in_dim3A_42, %add3A_197 : vector<16xi1>, vector<16xf32>
      %eq3A_361 = arith.constant 10 : i32
      %eq3A_362 = vector.broadcast %eq3A_361 : i32 to vector<16xi32>
      %eq3A_363 = arith.cmpi eq, %select_n3A_319, %eq3A_362 : vector<16xi32>
      %select_n3A_364 = arith.select %eq3A_363, %broadcast_in_dim3A_42, %add3A_205 : vector<16xi1>, vector<16xf32>
      %eq3A_365 = arith.constant 11 : i32
      %eq3A_366 = vector.broadcast %eq3A_365 : i32 to vector<16xi32>
      %eq3A_367 = arith.cmpi eq, %select_n3A_319, %eq3A_366 : vector<16xi32>
      %select_n3A_368 = arith.select %eq3A_367, %broadcast_in_dim3A_42, %add3A_213 : vector<16xi1>, vector<16xf32>
      %eq3A_369 = arith.constant 12 : i32
      %eq3A_370 = vector.broadcast %eq3A_369 : i32 to vector<16xi32>
      %eq3A_371 = arith.cmpi eq, %select_n3A_319, %eq3A_370 : vector<16xi32>
      %select_n3A_372 = arith.select %eq3A_371, %broadcast_in_dim3A_42, %add3A_221 : vector<16xi1>, vector<16xf32>
      %eq3A_373 = arith.constant 13 : i32
      %eq3A_374 = vector.broadcast %eq3A_373 : i32 to vector<16xi32>
      %eq3A_375 = arith.cmpi eq, %select_n3A_319, %eq3A_374 : vector<16xi32>
      %select_n3A_376 = arith.select %eq3A_375, %broadcast_in_dim3A_42, %add3A_229 : vector<16xi1>, vector<16xf32>
      %eq3A_377 = arith.constant 14 : i32
      %eq3A_378 = vector.broadcast %eq3A_377 : i32 to vector<16xi32>
      %eq3A_379 = arith.cmpi eq, %select_n3A_319, %eq3A_378 : vector<16xi32>
      %select_n3A_380 = arith.select %eq3A_379, %broadcast_in_dim3A_42, %add3A_237 : vector<16xi1>, vector<16xf32>
      %eq3A_381 = arith.constant 15 : i32
      %eq3A_382 = vector.broadcast %eq3A_381 : i32 to vector<16xi32>
      %eq3A_383 = arith.cmpi eq, %select_n3A_319, %eq3A_382 : vector<16xi32>
      %select_n3A_384 = arith.select %eq3A_383, %broadcast_in_dim3A_42, %add3A_245 : vector<16xi1>, vector<16xf32>
      %max3A_385 = arith.maximumf %select_n3A_324, %select_n3A_328 : vector<16xf32>
      %max3A_386 = arith.maximumf %max3A_385, %select_n3A_332 : vector<16xf32>
      %max3A_387 = arith.maximumf %max3A_386, %select_n3A_336 : vector<16xf32>
      %max3A_388 = arith.maximumf %max3A_387, %select_n3A_340 : vector<16xf32>
      %max3A_389 = arith.maximumf %max3A_388, %select_n3A_344 : vector<16xf32>
      %max3A_390 = arith.maximumf %max3A_389, %select_n3A_348 : vector<16xf32>
      %max3A_391 = arith.maximumf %max3A_390, %select_n3A_352 : vector<16xf32>
      %max3A_392 = arith.maximumf %max3A_391, %select_n3A_356 : vector<16xf32>
      %max3A_393 = arith.maximumf %max3A_392, %select_n3A_360 : vector<16xf32>
      %max3A_394 = arith.maximumf %max3A_393, %select_n3A_364 : vector<16xf32>
      %max3A_395 = arith.maximumf %max3A_394, %select_n3A_368 : vector<16xf32>
      %max3A_396 = arith.maximumf %max3A_395, %select_n3A_372 : vector<16xf32>
      %max3A_397 = arith.maximumf %max3A_396, %select_n3A_376 : vector<16xf32>
      %max3A_398 = arith.maximumf %max3A_397, %select_n3A_380 : vector<16xf32>
      %max3A_399 = arith.maximumf %max3A_398, %select_n3A_384 : vector<16xf32>
      %broadcast_in_dim3A_400 = arith.constant 15 : i32
      %broadcast_in_dim3A_401 = vector.broadcast %broadcast_in_dim3A_400 : i32 to vector<16xi32>
      %eq3A_402 = arith.cmpf oeq, %select_n3A_380, %max3A_399 : vector<16xf32>
      %broadcast_in_dim3A_403 = arith.constant 14 : i32
      %broadcast_in_dim3A_404 = vector.broadcast %broadcast_in_dim3A_403 : i32 to vector<16xi32>
      %select_n3A_405 = arith.select %eq3A_402, %broadcast_in_dim3A_404, %broadcast_in_dim3A_401 : vector<16xi1>, vector<16xi32>
      %eq3A_406 = arith.cmpf oeq, %select_n3A_376, %max3A_399 : vector<16xf32>
      %broadcast_in_dim3A_407 = arith.constant 13 : i32
      %broadcast_in_dim3A_408 = vector.broadcast %broadcast_in_dim3A_407 : i32 to vector<16xi32>
      %select_n3A_409 = arith.select %eq3A_406, %broadcast_in_dim3A_408, %select_n3A_405 : vector<16xi1>, vector<16xi32>
      %eq3A_410 = arith.cmpf oeq, %select_n3A_372, %max3A_399 : vector<16xf32>
      %broadcast_in_dim3A_411 = arith.constant 12 : i32
      %broadcast_in_dim3A_412 = vector.broadcast %broadcast_in_dim3A_411 : i32 to vector<16xi32>
      %select_n3A_413 = arith.select %eq3A_410, %broadcast_in_dim3A_412, %select_n3A_409 : vector<16xi1>, vector<16xi32>
      %eq3A_414 = arith.cmpf oeq, %select_n3A_368, %max3A_399 : vector<16xf32>
      %broadcast_in_dim3A_415 = arith.constant 11 : i32
      %broadcast_in_dim3A_416 = vector.broadcast %broadcast_in_dim3A_415 : i32 to vector<16xi32>
      %select_n3A_417 = arith.select %eq3A_414, %broadcast_in_dim3A_416, %select_n3A_413 : vector<16xi1>, vector<16xi32>
      %eq3A_418 = arith.cmpf oeq, %select_n3A_364, %max3A_399 : vector<16xf32>
      %broadcast_in_dim3A_419 = arith.constant 10 : i32
      %broadcast_in_dim3A_420 = vector.broadcast %broadcast_in_dim3A_419 : i32 to vector<16xi32>
      %select_n3A_421 = arith.select %eq3A_418, %broadcast_in_dim3A_420, %select_n3A_417 : vector<16xi1>, vector<16xi32>
      %eq3A_422 = arith.cmpf oeq, %select_n3A_360, %max3A_399 : vector<16xf32>
      %broadcast_in_dim3A_423 = arith.constant 9 : i32
      %broadcast_in_dim3A_424 = vector.broadcast %broadcast_in_dim3A_423 : i32 to vector<16xi32>
      %select_n3A_425 = arith.select %eq3A_422, %broadcast_in_dim3A_424, %select_n3A_421 : vector<16xi1>, vector<16xi32>
      %eq3A_426 = arith.cmpf oeq, %select_n3A_356, %max3A_399 : vector<16xf32>
      %broadcast_in_dim3A_427 = arith.constant 8 : i32
      %broadcast_in_dim3A_428 = vector.broadcast %broadcast_in_dim3A_427 : i32 to vector<16xi32>
      %select_n3A_429 = arith.select %eq3A_426, %broadcast_in_dim3A_428, %select_n3A_425 : vector<16xi1>, vector<16xi32>
      %eq3A_430 = arith.cmpf oeq, %select_n3A_352, %max3A_399 : vector<16xf32>
      %broadcast_in_dim3A_431 = arith.constant 7 : i32
      %broadcast_in_dim3A_432 = vector.broadcast %broadcast_in_dim3A_431 : i32 to vector<16xi32>
      %select_n3A_433 = arith.select %eq3A_430, %broadcast_in_dim3A_432, %select_n3A_429 : vector<16xi1>, vector<16xi32>
      %eq3A_434 = arith.cmpf oeq, %select_n3A_348, %max3A_399 : vector<16xf32>
      %broadcast_in_dim3A_435 = arith.constant 6 : i32
      %broadcast_in_dim3A_436 = vector.broadcast %broadcast_in_dim3A_435 : i32 to vector<16xi32>
      %select_n3A_437 = arith.select %eq3A_434, %broadcast_in_dim3A_436, %select_n3A_433 : vector<16xi1>, vector<16xi32>
      %eq3A_438 = arith.cmpf oeq, %select_n3A_344, %max3A_399 : vector<16xf32>
      %broadcast_in_dim3A_439 = arith.constant 5 : i32
      %broadcast_in_dim3A_440 = vector.broadcast %broadcast_in_dim3A_439 : i32 to vector<16xi32>
      %select_n3A_441 = arith.select %eq3A_438, %broadcast_in_dim3A_440, %select_n3A_437 : vector<16xi1>, vector<16xi32>
      %eq3A_442 = arith.cmpf oeq, %select_n3A_340, %max3A_399 : vector<16xf32>
      %broadcast_in_dim3A_443 = arith.constant 4 : i32
      %broadcast_in_dim3A_444 = vector.broadcast %broadcast_in_dim3A_443 : i32 to vector<16xi32>
      %select_n3A_445 = arith.select %eq3A_442, %broadcast_in_dim3A_444, %select_n3A_441 : vector<16xi1>, vector<16xi32>
      %eq3A_446 = arith.cmpf oeq, %select_n3A_336, %max3A_399 : vector<16xf32>
      %broadcast_in_dim3A_447 = arith.constant 3 : i32
      %broadcast_in_dim3A_448 = vector.broadcast %broadcast_in_dim3A_447 : i32 to vector<16xi32>
      %select_n3A_449 = arith.select %eq3A_446, %broadcast_in_dim3A_448, %select_n3A_445 : vector<16xi1>, vector<16xi32>
      %eq3A_450 = arith.cmpf oeq, %select_n3A_332, %max3A_399 : vector<16xf32>
      %broadcast_in_dim3A_451 = arith.constant 2 : i32
      %broadcast_in_dim3A_452 = vector.broadcast %broadcast_in_dim3A_451 : i32 to vector<16xi32>
      %select_n3A_453 = arith.select %eq3A_450, %broadcast_in_dim3A_452, %select_n3A_449 : vector<16xi1>, vector<16xi32>
      %eq3A_454 = arith.cmpf oeq, %select_n3A_328, %max3A_399 : vector<16xf32>
      %broadcast_in_dim3A_455 = arith.constant 1 : i32
      %broadcast_in_dim3A_456 = vector.broadcast %broadcast_in_dim3A_455 : i32 to vector<16xi32>
      %select_n3A_457 = arith.select %eq3A_454, %broadcast_in_dim3A_456, %select_n3A_453 : vector<16xi1>, vector<16xi32>
      %eq3A_458 = arith.cmpf oeq, %select_n3A_324, %max3A_399 : vector<16xf32>
      %broadcast_in_dim3A_459 = arith.constant 0 : i32
      %broadcast_in_dim3A_460 = vector.broadcast %broadcast_in_dim3A_459 : i32 to vector<16xi32>
      %select_n3A_461 = arith.select %eq3A_458, %broadcast_in_dim3A_460, %select_n3A_457 : vector<16xi1>, vector<16xi32>
      %gather3A_462 = tpu.vector_load_idx %arg11[%select_n3A_461] : memref<32xf32, #tpu.memory_space<vmem>>[vector<16xi32>], vector<16xf32>,
      %sub3A_463 = arith.subf %max3A_399, %gather3A_462 : vector<16xf32>
      %add3A_464 = arith.addf %sub3A, %sub3A_463 : vector<16xf32>
      %add3A_465 = vector.broadcast %squeeze3A : f32 to vector<16xf32>
      %add3A_466 = arith.addf %add3A_464, %add3A_465 : vector<16xf32>
      %div3A = arith.constant 1.000000e+00 : f32
      %div3A_467 = vector.broadcast %div3A : f32 to vector<16xf32>
      %div3A_468 = arith.divf %div3A_467, %add3A_466 : vector<16xf32>
      %mul3A_469 = arith.mulf %sub3A, %div3A_468 : vector<16xf32>
      %mul3A_470 = arith.mulf %sub3A_463, %div3A_468 : vector<16xf32>
      %bitcast_convert_type3A = tpu.bitcast %mul3A_469 : vector<16xf32> -> vector<16xi32>
      %shift_right_arithmetic3A = arith.constant 23 : i32
      %shift_right_arithmetic3A_471 = vector.broadcast %shift_right_arithmetic3A : i32 to vector<16xi32>
      %shift_right_arithmetic3A_472 = arith.shrsi %bitcast_convert_type3A, %shift_right_arithmetic3A_471 : vector<16xi32>
      %sub3A_473 = arith.constant 127 : i32
      %sub3A_474 = vector.broadcast %sub3A_473 : i32 to vector<16xi32>
      %sub3A_475 = arith.subi %shift_right_arithmetic3A_472, %sub3A_474 : vector<16xi32>
      %and3A = arith.constant 8388607 : i32
      %and3A_476 = vector.broadcast %and3A : i32 to vector<16xi32>
      %and3A_477 = arith.andi %bitcast_convert_type3A, %and3A_476 : vector<16xi32>
      %or3A = arith.constant 1065353216 : i32
      %or3A_478 = vector.broadcast %or3A : i32 to vector<16xi32>
      %or3A_479 = arith.ori %and3A_477, %or3A_478 : vector<16xi32>
      %bitcast_convert_type3A_480 = tpu.bitcast %or3A_479 : vector<16xi32> -> vector<16xf32>
      %sub3A_481 = arith.constant 1.000000e+00 : f32
      %sub3A_482 = vector.broadcast %sub3A_481 : f32 to vector<16xf32>
      %sub3A_483 = arith.subf %bitcast_convert_type3A_480, %sub3A_482 : vector<16xf32>
      %add3A_484 = arith.constant 1.000000e+00 : f32
      %add3A_485 = vector.broadcast %add3A_484 : f32 to vector<16xf32>
      %add3A_486 = arith.addf %bitcast_convert_type3A_480, %add3A_485 : vector<16xf32>
      %div3A_487 = arith.divf %sub3A_483, %add3A_486 : vector<16xf32>
      %mul3A_488 = arith.mulf %div3A_487, %div3A_487 : vector<16xf32>
      %mul3A_489 = arith.constant 0.285714298 : f32
      %mul3A_490 = vector.broadcast %mul3A_489 : f32 to vector<16xf32>
      %mul3A_491 = arith.mulf %mul3A_488, %mul3A_490 : vector<16xf32>
      %add3A_492 = arith.constant 4.000000e-01 : f32
      %add3A_493 = vector.broadcast %add3A_492 : f32 to vector<16xf32>
      %add3A_494 = arith.addf %add3A_493, %mul3A_491 : vector<16xf32>
      %mul3A_495 = arith.mulf %mul3A_488, %add3A_494 : vector<16xf32>
      %add3A_496 = arith.constant 0.666666686 : f32
      %add3A_497 = vector.broadcast %add3A_496 : f32 to vector<16xf32>
      %add3A_498 = arith.addf %add3A_497, %mul3A_495 : vector<16xf32>
      %mul3A_499 = arith.mulf %mul3A_488, %add3A_498 : vector<16xf32>
      %add3A_500 = arith.constant 2.000000e+00 : f32
      %add3A_501 = vector.broadcast %add3A_500 : f32 to vector<16xf32>
      %add3A_502 = arith.addf %add3A_501, %mul3A_499 : vector<16xf32>
      %mul3A_503 = arith.mulf %div3A_487, %add3A_502 : vector<16xf32>
      %convert_element_type3A = arith.sitofp %sub3A_475 : vector<16xi32> to vector<16xf32>
      %mul3A_504 = arith.constant 0.693147182 : f32
      %mul3A_505 = vector.broadcast %mul3A_504 : f32 to vector<16xf32>
      %mul3A_506 = arith.mulf %convert_element_type3A, %mul3A_505 : vector<16xf32>
      %add3A_507 = arith.addf %mul3A_506, %mul3A_503 : vector<16xf32>
      %mul3A_508 = arith.mulf %mul3A_469, %add3A_507 : vector<16xf32>
      %bitcast_convert_type3A_509 = tpu.bitcast %mul3A_470 : vector<16xf32> -> vector<16xi32>
      %shift_right_arithmetic3A_510 = arith.constant 23 : i32
      %shift_right_arithmetic3A_511 = vector.broadcast %shift_right_arithmetic3A_510 : i32 to vector<16xi32>
      %shift_right_arithmetic3A_512 = arith.shrsi %bitcast_convert_type3A_509, %shift_right_arithmetic3A_511 : vector<16xi32>
      %sub3A_513 = arith.constant 127 : i32
      %sub3A_514 = vector.broadcast %sub3A_513 : i32 to vector<16xi32>
      %sub3A_515 = arith.subi %shift_right_arithmetic3A_512, %sub3A_514 : vector<16xi32>
      %and3A_516 = arith.constant 8388607 : i32
      %and3A_517 = vector.broadcast %and3A_516 : i32 to vector<16xi32>
      %and3A_518 = arith.andi %bitcast_convert_type3A_509, %and3A_517 : vector<16xi32>
      %or3A_519 = arith.constant 1065353216 : i32
      %or3A_520 = vector.broadcast %or3A_519 : i32 to vector<16xi32>
      %or3A_521 = arith.ori %and3A_518, %or3A_520 : vector<16xi32>
      %bitcast_convert_type3A_522 = tpu.bitcast %or3A_521 : vector<16xi32> -> vector<16xf32>
      %sub3A_523 = arith.constant 1.000000e+00 : f32
      %sub3A_524 = vector.broadcast %sub3A_523 : f32 to vector<16xf32>
      %sub3A_525 = arith.subf %bitcast_convert_type3A_522, %sub3A_524 : vector<16xf32>
      %add3A_526 = arith.constant 1.000000e+00 : f32
      %add3A_527 = vector.broadcast %add3A_526 : f32 to vector<16xf32>
      %add3A_528 = arith.addf %bitcast_convert_type3A_522, %add3A_527 : vector<16xf32>
      %div3A_529 = arith.divf %sub3A_525, %add3A_528 : vector<16xf32>
      %mul3A_530 = arith.mulf %div3A_529, %div3A_529 : vector<16xf32>
      %mul3A_531 = arith.constant 0.285714298 : f32
      %mul3A_532 = vector.broadcast %mul3A_531 : f32 to vector<16xf32>
      %mul3A_533 = arith.mulf %mul3A_530, %mul3A_532 : vector<16xf32>
      %add3A_534 = arith.constant 4.000000e-01 : f32
      %add3A_535 = vector.broadcast %add3A_534 : f32 to vector<16xf32>
      %add3A_536 = arith.addf %add3A_535, %mul3A_533 : vector<16xf32>
      %mul3A_537 = arith.mulf %mul3A_530, %add3A_536 : vector<16xf32>
      %add3A_538 = arith.constant 0.666666686 : f32
      %add3A_539 = vector.broadcast %add3A_538 : f32 to vector<16xf32>
      %add3A_540 = arith.addf %add3A_539, %mul3A_537 : vector<16xf32>
      %mul3A_541 = arith.mulf %mul3A_530, %add3A_540 : vector<16xf32>
      %add3A_542 = arith.constant 2.000000e+00 : f32
      %add3A_543 = vector.broadcast %add3A_542 : f32 to vector<16xf32>
      %add3A_544 = arith.addf %add3A_543, %mul3A_541 : vector<16xf32>
      %mul3A_545 = arith.mulf %div3A_529, %add3A_544 : vector<16xf32>
      %convert_element_type3A_546 = arith.sitofp %sub3A_515 : vector<16xi32> to vector<16xf32>
      %mul3A_547 = arith.constant 0.693147182 : f32
      %mul3A_548 = vector.broadcast %mul3A_547 : f32 to vector<16xf32>
      %mul3A_549 = arith.mulf %convert_element_type3A_546, %mul3A_548 : vector<16xf32>
      %add3A_550 = arith.addf %mul3A_549, %mul3A_545 : vector<16xf32>
      %mul3A_551 = arith.mulf %mul3A_470, %add3A_550 : vector<16xf32>
      %add3A_552 = arith.addf %mul3A_508, %mul3A_551 : vector<16xf32>
      %neg3A = arith.constant 0.000000e+00 : f32
      %neg3A_553 = vector.broadcast %neg3A : f32 to vector<16xf32>
      %neg3A_554 = arith.subf %neg3A_553, %add3A_552 : vector<16xf32>
      %swap3A_555 = arith.constant 0 : index
      %swap3A_556 = tpu.vector_load %arg14[%swap3A_555] {strides = array<i32>} : memref<16xf32, #tpu.memory_space<vmem>>, vector<16xf32>,
      tpu.vector_store %arg14[%swap3A_555], %neg3A_554 {add = true, strides = array<i32>} : memref<16xf32, #tpu.memory_space<vmem>>, vector<16xf32>,
      %mul3A_557 = arith.constant 16 : i32
      %mul3A_558 = vector.broadcast %mul3A_557 : i32 to vector<16xi32>
      %mul3A_559 = arith.muli %iota3A, %mul3A_558 : vector<16xi32>
      %add3A_560 = arith.addi %mul3A_559, %select_n3A_319 : vector<16xi32>
      tpu.vector_store_idx %arg12[%add3A_560], %broadcast_in_dim3A_40 {add = true} : memref<256xf32, #tpu.memory_space<vmem>>[vector<16xi32>], vector<16xf32>,
      %mul3A_561 = arith.constant 16 : i32
      %mul3A_562 = vector.broadcast %mul3A_561 : i32 to vector<16xi32>
      %mul3A_563 = arith.muli %iota3A, %mul3A_562 : vector<16xi32>
      %add3A_564 = arith.addi %mul3A_563, %select_n3A_461 : vector<16xi32>
      tpu.vector_store_idx %arg12[%add3A_564], %broadcast_in_dim3A_40 {add = true} : memref<256xf32, #tpu.memory_space<vmem>>[vector<16xi32>], vector<16xf32>,
      %mul3A_565 = arith.constant 16 : i32
      %mul3A_566 = arith.muli %add3A_111, %mul3A_565 : i32
      %add3A_567 = vector.broadcast %mul3A_566 : i32 to vector<16xi32>
      %add3A_568 = arith.addi %add3A_567, %iota3A : vector<16xi32>
      %mul3A_569 = arith.constant 2 : i32
      %mul3A_570 = vector.broadcast %mul3A_569 : i32 to vector<16xi32>
      %mul3A_571 = arith.muli %add3A_568, %mul3A_570 : vector<16xi32>
      tpu.vector_store_idx %arg9[%mul3A_571], %mul3A_469 : memref<1024xf32, #tpu.memory_space<vmem>>[vector<16xi32>], vector<16xf32>,
      %add3A_572 = arith.constant 1 : i32
      %add3A_573 = vector.broadcast %add3A_572 : i32 to vector<16xi32>
      %add3A_574 = arith.addi %mul3A_571, %add3A_573 : vector<16xi32>
      tpu.vector_store_idx %arg9[%add3A_574], %mul3A_470 : memref<1024xf32, #tpu.memory_space<vmem>>[vector<16xi32>], vector<16xf32>,
      tpu.vector_store_idx %arg10[%mul3A_571], %select_n3A_319 : memref<1024xi32, #tpu.memory_space<vmem>>[vector<16xi32>], vector<16xi32>,
      %add3A_575 = arith.constant 1 : i32
      %add3A_576 = vector.broadcast %add3A_575 : i32 to vector<16xi32>
      %add3A_577 = arith.addi %mul3A_571, %add3A_576 : vector<16xi32>
      tpu.vector_store_idx %arg10[%add3A_577], %select_n3A_461 : memref<1024xi32, #tpu.memory_space<vmem>>[vector<16xi32>], vector<16xi32>,
    }
    %scan3A_49 = arith.constant 32 : i32
    %mul3A_50 = arith.constant 2 : i32
    %mul3A_51 = arith.muli %mul3A_2, %mul3A_50 : i32
    "tpu.region"() ({
      %run_scoped3A = tpu.sem_alloc : memref<!tpu.dma_semaphore, #tpu.memory_space<semaphore_mem>>
      %dma_start3A = tpu.memref_slice %arg4[%mul3A_51] : memref<32768xf32, #tpu.memory_space<hbm>> -> memref<1024xf32, #tpu.memory_space<hbm>>
      %dma_start3A_107 = tpu.memref_slice %arg4[%mul3A_51] : memref<32768xf32, #tpu.memory_space<hbm>> -> memref<1024xf32, #tpu.memory_space<hbm>>
      tpu.enqueue_dma source(%arg9 : memref<1024xf32, #tpu.memory_space<vmem>>) target(%dma_start3A_107 : memref<1024xf32, #tpu.memory_space<hbm>>) target_semaphore(%run_scoped3A : memref<!tpu.dma_semaphore, #tpu.memory_space<semaphore_mem>>)
      %dma_wait3A = tpu.memref_slice %arg4[%mul3A_51] : memref<32768xf32, #tpu.memory_space<hbm>> -> memref<1024xf32, #tpu.memory_space<hbm>>
      %dma_wait3A_108 = tpu.memref_slice %arg4[%mul3A_51] : memref<32768xf32, #tpu.memory_space<hbm>> -> memref<1024xf32, #tpu.memory_space<hbm>>
      tpu.wait_dma2 semaphore(%run_scoped3A : memref<!tpu.dma_semaphore, #tpu.memory_space<semaphore_mem>>) src(%arg9 : memref<1024xf32, #tpu.memory_space<vmem>>) dst(%dma_wait3A_108 : memref<1024xf32, #tpu.memory_space<hbm>>)
      tpu.yield
    }) : () -> ()
    %mul3A_52 = arith.constant 2 : i32
    %mul3A_53 = arith.muli %mul3A_2, %mul3A_52 : i32
    "tpu.region"() ({
      %run_scoped3A = tpu.sem_alloc : memref<!tpu.dma_semaphore, #tpu.memory_space<semaphore_mem>>
      %dma_start3A = tpu.memref_slice %arg5[%mul3A_53] : memref<32768xi32, #tpu.memory_space<hbm>> -> memref<1024xi32, #tpu.memory_space<hbm>>
      %dma_start3A_107 = tpu.memref_slice %arg5[%mul3A_53] : memref<32768xi32, #tpu.memory_space<hbm>> -> memref<1024xi32, #tpu.memory_space<hbm>>
      tpu.enqueue_dma source(%arg10 : memref<1024xi32, #tpu.memory_space<vmem>>) target(%dma_start3A_107 : memref<1024xi32, #tpu.memory_space<hbm>>) target_semaphore(%run_scoped3A : memref<!tpu.dma_semaphore, #tpu.memory_space<semaphore_mem>>)
      %dma_wait3A = tpu.memref_slice %arg5[%mul3A_53] : memref<32768xi32, #tpu.memory_space<hbm>> -> memref<1024xi32, #tpu.memory_space<hbm>>
      %dma_wait3A_108 = tpu.memref_slice %arg5[%mul3A_53] : memref<32768xi32, #tpu.memory_space<hbm>> -> memref<1024xi32, #tpu.memory_space<hbm>>
      tpu.wait_dma2 semaphore(%run_scoped3A : memref<!tpu.dma_semaphore, #tpu.memory_space<semaphore_mem>>) src(%arg10 : memref<1024xi32, #tpu.memory_space<vmem>>) dst(%dma_wait3A_108 : memref<1024xi32, #tpu.memory_space<hbm>>)
      tpu.yield
    }) : () -> ()
    %get3A_54 = arith.constant 0 : index
    %get3A_55 = tpu.vector_load %arg12[%get3A_54] {strides = array<i32>} : memref<256xf32, #tpu.memory_space<vmem>>, vector<16xf32>,
    %get3A_56 = arith.constant 16 : index
    %get3A_57 = tpu.vector_load %arg12[%get3A_56] {strides = array<i32>} : memref<256xf32, #tpu.memory_space<vmem>>, vector<16xf32>,
    %add3A_58 = arith.addf %get3A_55, %get3A_57 : vector<16xf32>
    %get3A_59 = arith.constant 32 : index
    %get3A_60 = tpu.vector_load %arg12[%get3A_59] {strides = array<i32>} : memref<256xf32, #tpu.memory_space<vmem>>, vector<16xf32>,
    %add3A_61 = arith.addf %add3A_58, %get3A_60 : vector<16xf32>
    %get3A_62 = arith.constant 48 : index
    %get3A_63 = tpu.vector_load %arg12[%get3A_62] {strides = array<i32>} : memref<256xf32, #tpu.memory_space<vmem>>, vector<16xf32>,
    %add3A_64 = arith.addf %add3A_61, %get3A_63 : vector<16xf32>
    %get3A_65 = arith.constant 64 : index
    %get3A_66 = tpu.vector_load %arg12[%get3A_65] {strides = array<i32>} : memref<256xf32, #tpu.memory_space<vmem>>, vector<16xf32>,
    %add3A_67 = arith.addf %add3A_64, %get3A_66 : vector<16xf32>
    %get3A_68 = arith.constant 80 : index
    %get3A_69 = tpu.vector_load %arg12[%get3A_68] {strides = array<i32>} : memref<256xf32, #tpu.memory_space<vmem>>, vector<16xf32>,
    %add3A_70 = arith.addf %add3A_67, %get3A_69 : vector<16xf32>
    %get3A_71 = arith.constant 96 : index
    %get3A_72 = tpu.vector_load %arg12[%get3A_71] {strides = array<i32>} : memref<256xf32, #tpu.memory_space<vmem>>, vector<16xf32>,
    %add3A_73 = arith.addf %add3A_70, %get3A_72 : vector<16xf32>
    %get3A_74 = arith.constant 112 : index
    %get3A_75 = tpu.vector_load %arg12[%get3A_74] {strides = array<i32>} : memref<256xf32, #tpu.memory_space<vmem>>, vector<16xf32>,
    %add3A_76 = arith.addf %add3A_73, %get3A_75 : vector<16xf32>
    %get3A_77 = arith.constant 128 : index
    %get3A_78 = tpu.vector_load %arg12[%get3A_77] {strides = array<i32>} : memref<256xf32, #tpu.memory_space<vmem>>, vector<16xf32>,
    %add3A_79 = arith.addf %add3A_76, %get3A_78 : vector<16xf32>
    %get3A_80 = arith.constant 144 : index
    %get3A_81 = tpu.vector_load %arg12[%get3A_80] {strides = array<i32>} : memref<256xf32, #tpu.memory_space<vmem>>, vector<16xf32>,
    %add3A_82 = arith.addf %add3A_79, %get3A_81 : vector<16xf32>
    %get3A_83 = arith.constant 160 : index
    %get3A_84 = tpu.vector_load %arg12[%get3A_83] {strides = array<i32>} : memref<256xf32, #tpu.memory_space<vmem>>, vector<16xf32>,
    %add3A_85 = arith.addf %add3A_82, %get3A_84 : vector<16xf32>
    %get3A_86 = arith.constant 176 : index
    %get3A_87 = tpu.vector_load %arg12[%get3A_86] {strides = array<i32>} : memref<256xf32, #tpu.memory_space<vmem>>, vector<16xf32>,
    %add3A_88 = arith.addf %add3A_85, %get3A_87 : vector<16xf32>
    %get3A_89 = arith.constant 192 : index
    %get3A_90 = tpu.vector_load %arg12[%get3A_89] {strides = array<i32>} : memref<256xf32, #tpu.memory_space<vmem>>, vector<16xf32>,
    %add3A_91 = arith.addf %add3A_88, %get3A_90 : vector<16xf32>
    %get3A_92 = arith.constant 208 : index
    %get3A_93 = tpu.vector_load %arg12[%get3A_92] {strides = array<i32>} : memref<256xf32, #tpu.memory_space<vmem>>, vector<16xf32>,
    %add3A_94 = arith.addf %add3A_91, %get3A_93 : vector<16xf32>
    %get3A_95 = arith.constant 224 : index
    %get3A_96 = tpu.vector_load %arg12[%get3A_95] {strides = array<i32>} : memref<256xf32, #tpu.memory_space<vmem>>, vector<16xf32>,
    %add3A_97 = arith.addf %add3A_94, %get3A_96 : vector<16xf32>
    %get3A_98 = arith.constant 240 : index
    %get3A_99 = tpu.vector_load %arg12[%get3A_98] {strides = array<i32>} : memref<256xf32, #tpu.memory_space<vmem>>, vector<16xf32>,
    %add3A_100 = arith.addf %add3A_97, %get3A_99 : vector<16xf32>
    %swap3A_101 = arith.constant 0 : index
    %swap3A_102 = tpu.vector_load %arg13[%swap3A_101] {strides = array<i32>} : memref<16xf32, #tpu.memory_space<vmem>>, vector<16xf32>,
    tpu.vector_store %arg13[%swap3A_101], %add3A_100 {strides = array<i32>} : memref<16xf32, #tpu.memory_space<vmem>>, vector<16xf32>,
    %mul3A_103 = arith.constant 16 : i32
    %mul3A_104 = arith.muli %add3A, %mul3A_103 : i32
    "tpu.region"() ({
      %run_scoped3A = tpu.sem_alloc : memref<!tpu.dma_semaphore, #tpu.memory_space<semaphore_mem>>
      %dma_start3A = tpu.memref_slice %arg6[%mul3A_104] : memref<512xf32, #tpu.memory_space<hbm>> -> memref<16xf32, #tpu.memory_space<hbm>>
      %dma_start3A_107 = tpu.memref_slice %arg6[%mul3A_104] : memref<512xf32, #tpu.memory_space<hbm>> -> memref<16xf32, #tpu.memory_space<hbm>>
      tpu.enqueue_dma source(%arg13 : memref<16xf32, #tpu.memory_space<vmem>>) target(%dma_start3A_107 : memref<16xf32, #tpu.memory_space<hbm>>) target_semaphore(%run_scoped3A : memref<!tpu.dma_semaphore, #tpu.memory_space<semaphore_mem>>)
      %dma_wait3A = tpu.memref_slice %arg6[%mul3A_104] : memref<512xf32, #tpu.memory_space<hbm>> -> memref<16xf32, #tpu.memory_space<hbm>>
      %dma_wait3A_108 = tpu.memref_slice %arg6[%mul3A_104] : memref<512xf32, #tpu.memory_space<hbm>> -> memref<16xf32, #tpu.memory_space<hbm>>
      tpu.wait_dma2 semaphore(%run_scoped3A : memref<!tpu.dma_semaphore, #tpu.memory_space<semaphore_mem>>) src(%arg13 : memref<16xf32, #tpu.memory_space<vmem>>) dst(%dma_wait3A_108 : memref<16xf32, #tpu.memory_space<hbm>>)
      tpu.yield
    }) : () -> ()
    %mul3A_105 = arith.constant 16 : i32
    %mul3A_106 = arith.muli %add3A, %mul3A_105 : i32
    "tpu.region"() ({
      %run_scoped3A = tpu.sem_alloc : memref<!tpu.dma_semaphore, #tpu.memory_space<semaphore_mem>>
      %dma_start3A = tpu.memref_slice %arg7[%mul3A_106] : memref<512xf32, #tpu.memory_space<hbm>> -> memref<16xf32, #tpu.memory_space<hbm>>
      %dma_start3A_107 = tpu.memref_slice %arg7[%mul3A_106] : memref<512xf32, #tpu.memory_space<hbm>> -> memref<16xf32, #tpu.memory_space<hbm>>
      tpu.enqueue_dma source(%arg14 : memref<16xf32, #tpu.memory_space<vmem>>) target(%dma_start3A_107 : memref<16xf32, #tpu.memory_space<hbm>>) target_semaphore(%run_scoped3A : memref<!tpu.dma_semaphore, #tpu.memory_space<semaphore_mem>>)
      %dma_wait3A = tpu.memref_slice %arg7[%mul3A_106] : memref<512xf32, #tpu.memory_space<hbm>> -> memref<16xf32, #tpu.memory_space<hbm>>
      %dma_wait3A_108 = tpu.memref_slice %arg7[%mul3A_106] : memref<512xf32, #tpu.memory_space<hbm>> -> memref<16xf32, #tpu.memory_space<hbm>>
      tpu.wait_dma2 semaphore(%run_scoped3A : memref<!tpu.dma_semaphore, #tpu.memory_space<semaphore_mem>>) src(%arg14 : memref<16xf32, #tpu.memory_space<vmem>>) dst(%dma_wait3A_108 : memref<16xf32, #tpu.memory_space<hbm>>)
      tpu.yield
    }) : () -> ()
    return
  }
}

module attributes {stable_mosaic.version = 14 : i64} {
  func.func @_scores_body(%arg0: i32, %arg1: memref<1024x2048xf32, #tpu.memory_space<vmem>>, %arg2: memref<2048x16xf32, #tpu.memory_space<vmem>>, %arg3: memref<1024x16xf32, #tpu.memory_space<vmem>>) attributes {dimension_semantics = [#tpu.dimension_semantics<arbitrary>], iteration_bounds = array<i64: 16>, scalar_prefetch = 0 : i64, scratch_operands = 0 : i64, tpu.core_type = #tpu.core_type<tc>, window_params = [{transform_indices = @transform_0, window_bounds = array<i64: 1024, 2048>}, {pipeline_mode = #tpu.pipeline_mode<synchronous>, transform_indices = @transform_1, window_bounds = array<i64: 2048, 16>}, {transform_indices = @transform_2, window_bounds = array<i64: 1024, 16>}]} {
    %get3A = arith.constant 0 : index
    %get3A_0 = arith.constant 0 : index
    %get3A_1 = vector.load %arg1[%get3A, %get3A_0] : memref<1024x2048xf32, #tpu.memory_space<vmem>>, vector<1024x2048xf32>
    %get3A_2 = arith.constant 0 : index
    %get3A_3 = arith.constant 0 : index
    %get3A_4 = vector.load %arg2[%get3A_2, %get3A_3] : memref<2048x16xf32, #tpu.memory_space<vmem>>, vector<2048x16xf32>
    %dot_general3A = arith.constant dense<0.000000e+00> : vector<1024x16xf32>
    %dot_general3A_5 = tpu.matmul %get3A_1, %get3A_4, %dot_general3A {dimension_numbers = #tpu.dot_dimension_numbers<[1], [0], [0], [1], [0, 0, 1, 1], [], []>, transpose_lhs_hint = false} : vector<1024x2048xf32>, vector<2048x16xf32>, vector<1024x16xf32> -> vector<1024x16xf32>
    %neg3A = arith.constant 0.000000e+00 : f32
    %neg3A_6 = vector.broadcast %neg3A : f32 to vector<1024x16xf32>
    %neg3A_7 = arith.subf %neg3A_6, %dot_general3A_5 : vector<1024x16xf32>
    %exp3A = math.exp %neg3A_7 : vector<1024x16xf32>
    %add3A = arith.constant 1.000000e+00 : f32
    %add3A_8 = vector.broadcast %add3A : f32 to vector<1024x16xf32>
    %add3A_9 = arith.addf %add3A_8, %exp3A : vector<1024x16xf32>
    %div3A = arith.constant 1.000000e+00 : f32
    %div3A_10 = vector.broadcast %div3A : f32 to vector<1024x16xf32>
    %div3A_11 = arith.divf %div3A_10, %add3A_9 : vector<1024x16xf32>
    %swap3A = arith.constant 0 : index
    %swap3A_12 = arith.constant 0 : index
    %swap3A_13 = vector.load %arg3[%swap3A, %swap3A_12] : memref<1024x16xf32, #tpu.memory_space<vmem>>, vector<1024x16xf32>
    tpu.vector_store %arg3[%swap3A, %swap3A_12], %div3A_11 {strides = array<i32>} : memref<1024x16xf32, #tpu.memory_space<vmem>>, vector<1024x16xf32>,
    return
  }
  func.func @transform_0(%arg0: i32) -> (i32, i32) {
    %c0_i32 = arith.constant 0 : i32
    %c0_i32_0 = arith.constant 0 : i32
    return %arg0, %c0_i32 : i32, i32
  }
  func.func @transform_1(%arg0: i32) -> (i32, i32) {
    %c0_i32 = arith.constant 0 : i32
    %c0_i32_0 = arith.constant 0 : i32
    %c0_i32_1 = arith.constant 0 : i32
    return %c0_i32, %c0_i32_0 : i32, i32
  }
  func.func @transform_2(%arg0: i32) -> (i32, i32) {
    %c0_i32 = arith.constant 0 : i32
    %c0_i32_0 = arith.constant 0 : i32
    return %arg0, %c0_i32 : i32, i32
  }
}

module attributes {stable_mosaic.version = 14 : i64} {
  func.func @_combine_body(%arg0: memref<32x16xf32, #tpu.memory_space<vmem>>, %arg1: memref<32x16xf32, #tpu.memory_space<vmem>>, %arg2: memref<1x16xf32, #tpu.memory_space<vmem>>, %arg3: memref<1x16xf32, #tpu.memory_space<vmem>>) attributes {dimension_semantics = [], scalar_prefetch = 0 : i64, scratch_operands = 0 : i64, tpu.core_type = #tpu.core_type<tc>} {
    %get3A = arith.constant 0 : index
    %get3A_0 = arith.constant 0 : index
    %get3A_1 = vector.load %arg0[%get3A, %get3A_0] : memref<32x16xf32, #tpu.memory_space<vmem>>, vector<32x16xf32>
    %reduce_sum3A = arith.constant dense<0.000000e+00> : vector<16xf32>
    %reduce_sum3A_2 = vector.multi_reduction <add>, %get3A_1, %reduce_sum3A [0] : vector<32x16xf32> to vector<16xf32>
    %broadcast_in_dim3A = vector.shape_cast %reduce_sum3A_2 : vector<16xf32> to vector<1x16xf32>
    %swap3A = arith.constant 0 : index
    %swap3A_3 = arith.constant 0 : index
    %swap3A_4 = vector.load %arg2[%swap3A, %swap3A_3] : memref<1x16xf32, #tpu.memory_space<vmem>>, vector<1x16xf32>
    tpu.vector_store %arg2[%swap3A, %swap3A_3], %broadcast_in_dim3A {strides = array<i32>} : memref<1x16xf32, #tpu.memory_space<vmem>>, vector<1x16xf32>,
    %get3A_5 = arith.constant 0 : index
    %get3A_6 = arith.constant 0 : index
    %get3A_7 = vector.load %arg1[%get3A_5, %get3A_6] : memref<32x16xf32, #tpu.memory_space<vmem>>, vector<32x16xf32>
    %reduce_sum3A_8 = vector.shape_cast %get3A_7 : vector<32x16xf32> to vector<1x32x16xf32>
    %reduce_sum3A_9 = arith.constant dense<0.000000e+00> : vector<1xf32>
    %reduce_sum3A_10 = vector.multi_reduction <add>, %reduce_sum3A_8, %reduce_sum3A_9 [1, 2] : vector<1x32x16xf32> to vector<1xf32>
    %reduce_sum3A_11 = vector.shape_cast %reduce_sum3A_10 : vector<1xf32> to vector<1x1x1xf32>
    %reduce_sum3A_12 = vector.extract %reduce_sum3A_11[0, 0, 0] : f32 from vector<1x1x1xf32>
    %mul3A = arith.constant 6.10351563E-5 : f32
    %mul3A_13 = arith.mulf %reduce_sum3A_12, %mul3A : f32
    %broadcast_in_dim3A_14 = vector.broadcast %mul3A_13 : f32 to vector<1x16xf32>
    %swap3A_15 = arith.constant 0 : index
    %swap3A_16 = arith.constant 0 : index
    %swap3A_17 = vector.load %arg3[%swap3A_15, %swap3A_16] : memref<1x16xf32, #tpu.memory_space<vmem>>, vector<1x16xf32>
    tpu.vector_store %arg3[%swap3A_15, %swap3A_16], %broadcast_in_dim3A_14 {strides = array<i32>} : memref<1x16xf32, #tpu.memory_space<vmem>>, vector<1x16xf32>,
    return
  }
}

</mosaic_0001>

<sc_bundles>
// kernel: kernel.5.cloned.1.call-start
scs
__scs_entry_jumppad:
0x0: {  	(pc) =	sbr.rel $0x88, $3  }
0x1: {  	(tag) =	ssettag $0x0;
	lr =	simm.s32 $0x1  }
0x2: {  	[smem:$0x3F9D] =	sst lr;
	_ =	strace $0xD0000000  }
0x3: {  	_ = 	snop  }
0x4: {  	_ = 	snop  }
0x5: {  	_ = 	snop  }
0x6: {  	_ = 	snop  }
0x7: {  	_ = 	snop  }
__scs_overlays_trampoline_lowered:
0x8: {  	[smem:$0x3FAC] =	sst s0  }
0x9: {  	[smem:$0x3FAD] =	sst s1  }
0xa: {  	[smem:$0x3FAE] =	sst s2  }
0xb: {  	[smem:$0x3FAF] =	sst s3  }
0xc: {  	[smem:$0x3FB0] =	sst s4  }
0xd: {  	[smem:$0x3FB1] =	sst s5  }
0xe: {  	[smem:$0x3FB2] =	sst s6  }
0xf: {  	[smem:$0x3FB3] =	sst s7  }
0x10: {  	[smem:$0x3FB4] =	sst s8  }
0x11: {  	[smem:$0x3FB5] =	sst s9;
	s0 =	simm.s32 @!p0 $0x0  }
0x12: {  	s1 =	sld [smem:$0x3F9B];
	s0 =	simm.s32 @p0 $0x1  }
0x13: {  	[smem:$0x3FB6] =	sst s0;
	s0 =	simm.s32 @!p1 $0x0  }
0x14: {  	s2 =	sld [smem:$0x3F9A];
	s0 =	simm.s32 @p1 $0x1  }
0x15: {  	[smem:$0x3FB7] =	sst s0;
	s0 =	simm.s32 @!p2 $0x0  }
0x16: {  	s3 =	sld [smem:$0x3FDB];
	s0 =	simm.s32 @p2 $0x1  }
0x17: {  	s4 =	simm.s32 $0x1BF5;
	[smem:$0x3FB9] =	sst s0  }
0x18: {  	s0 =	sld [smem:$0x3F9C];
	_ =	swait.ge [sflag:s4], $0x0  }
0x19: {  	s7 =	sld [smem:$0x3F9D]  }
0x1a: {  	s8 =	sadd.s32 $0xFFFFE003, lr  }
0x1b: {  	s9 =	sadd.s32 $0xFFFFFEF7, lr;
	s5 =	simm.s32 $0xFFFFFFFF;
	p2 =	slt.u32 s8, $0xFFFFF086  }
0x1c: {  	p1 =	slt.u32 s9, $0xF7A;
	s5 =	simm.s32 @!p2 $0x0  }
0x1d: {  	s5 =	simm.s32 @p1 $0x1;
	p0 =	seq.s32 s7, s2  }
0x1e: {  	s7 =	smul.u32 @!p0 $0xF7A, s2;
	p2 =	seq.s32 @!p0 s5, $0x0  }
0x1f: {  	s9 =	smul.u32 $0xF7A, s1;
	s8 =	simm.s32 @!p0 $0x1BF5;
	p2 =	por !p2, p0  }
0x20: {  	[sflag:s8] =	ssyncset.s32 @!p0 $0xFFFFF086;
	s6 =	sadd.s32 @!p0 s3, s7;
	s7 =	simm.s32 @!p0 $0x108  }
0x21: {  	s3 =	sadd.s32 s3, s9;
	s6 =	sadd.s32 @!p0 $0x88, s6;
	s7 =	simm.s32 @p2 $0x1082  }
0x22: {  	[simem:s7], [sflag:s8] =	dma.local @!p0 [hbm:s6], $0xF7A  }
0x23: {  	s9 =	sor.u32 $0xD0000000, s2;
	s6 =	simm.s32 $0x108;
	_ =	swait.ge @!p0 [sflag:s8], $0x0  }
0x24: {  	s3 =	sadd.s32 $0x88, s3;
	s6 =	simm.s32 @!p1 $0x1082;
	[sflag:s4] =	ssyncset.s32 $0xFFFFF086  }
0x25: {  	[simem:s6], [sflag:s4] =	dma.local [hbm:s3], $0xF7A  }
0x26: {  	[smem:$0x3F9D] =	sst s1;
	(tag) =	ssettag s2;
	_ =	strace s9  }
0x27: {  	s1 =	sld [smem:$0x3FAD]  }
0x28: {  	s2 =	sld [smem:$0x3FAE]  }
0x29: {  	s4 =	sld [smem:$0x3FB0]  }
0x2a: {  	p0 =	seq.s32 s5, $0x0;
	s5 =	sld [smem:$0x3FB1]  }
0x2b: {  	s6 =	sld [smem:$0x3FB2]  }
0x2c: {  	s7 =	sld [smem:$0x3FB3]  }
0x2d: {  	s3 =	simm.s32 $0x108;
	s8 =	sld [smem:$0x3FB4]  }
0x2e: {  	s3 =	simm.s32 @!p0 $0x1082;
	s9 =	sld [smem:$0x3FB5]  }
0x2f: {  	lr =	sadd.s32 s0, s3;
	s0 =	sld [smem:$0x3FAC]  }
0x30: {  	s3 =	sld [smem:$0x3FAF]  }
0x31: {  	[smem:$0x3FB8] =	sst s10  }
0x32: {  	s10 =	sld [smem:$0x3FB6];
	_ =	sdelay $0x3  }
0x33: {  	p0 =	seq.s32 s10, $0x1;
	s10 =	sld [smem:$0x3FB8];
	_ =	sdelay $0x3  }
0x34: {  	[smem:$0x3FB8] =	sst s10  }
0x35: {  	s10 =	sld [smem:$0x3FB7];
	_ =	sdelay $0x3  }
0x36: {  	p1 =	seq.s32 s10, $0x1;
	s10 =	sld [smem:$0x3FB8];
	_ =	sdelay $0x3  }
0x37: {  	[smem:$0x3FB8] =	sst s10  }
0x38: {  	s10 =	sld [smem:$0x3FB9]  }
0x39: {  	_ = 	snop;
	(pc) =	sbr.ind lr, $3  }
0x3a: {  	_ = 	snop  }
0x3b: {  	_ = 	snop  }
0x3c: {  	p2 =	seq.s32 s10, $0x1;
	s10 =	sld [smem:$0x3FB8]  }
0x3d: {  	_ =	shalt  }
0x3e: {  	_ =	shalt  }
0x3f: {  	_ =	shalt  }
0x40: {  	_ =	shalt  }
0x41: {  	_ =	shalt  }
0x42: {  	_ =	shalt  }
0x43: {  	_ =	shalt  }
0x44: {  	_ =	shalt  }
0x45: {  	_ =	shalt  }
0x46: {  	_ =	shalt  }
0x47: {  	_ =	shalt  }
0x48: {  	_ =	shalt  }
0x49: {  	_ =	shalt  }
0x4a: {  	_ =	shalt  }
0x4b: {  	_ =	shalt  }
0x4c: {  	_ =	shalt  }
0x4d: {  	_ =	shalt  }
0x4e: {  	_ =	shalt  }
0x4f: {  	_ =	shalt  }
0x50: {  	_ =	shalt  }
0x51: {  	_ =	shalt  }
0x52: {  	_ =	shalt  }
0x53: {  	_ =	shalt  }
0x54: {  	_ =	shalt  }
0x55: {  	_ =	shalt  }
0x56: {  	_ =	shalt  }
0x57: {  	_ =	shalt  }
0x58: {  	_ =	shalt  }
0x59: {  	_ =	shalt  }
0x5a: {  	_ =	shalt  }
0x5b: {  	_ =	shalt  }
0x5c: {  	_ =	shalt  }
0x5d: {  	_ =	shalt  }
0x5e: {  	_ =	shalt  }
0x5f: {  	_ =	shalt  }
0x60: {  	_ =	shalt  }
0x61: {  	_ =	shalt  }
0x62: {  	_ =	shalt  }
0x63: {  	_ =	shalt  }
0x64: {  	_ =	shalt  }
0x65: {  	_ =	shalt  }
0x66: {  	_ =	shalt  }
0x67: {  	_ =	shalt  }
0x68: {  	_ =	shalt  }
0x69: {  	_ =	shalt  }
0x6a: {  	_ =	shalt  }
0x6b: {  	_ =	shalt  }
0x6c: {  	_ =	shalt  }
0x6d: {  	_ =	shalt  }
0x6e: {  	_ =	shalt  }
0x6f: {  	_ =	shalt  }
0x70: {  	_ =	shalt  }
0x71: {  	_ =	shalt  }
0x72: {  	_ =	shalt  }
0x73: {  	_ =	shalt  }
0x74: {  	_ =	shalt  }
0x75: {  	_ =	shalt  }
0x76: {  	_ =	shalt  }
0x77: {  	_ =	shalt  }
0x78: {  	_ =	shalt  }
0x79: {  	_ =	shalt  }
0x7a: {  	_ =	shalt  }
0x7b: {  	_ =	shalt  }
0x7c: {  	_ =	shalt  }
0x7d: {  	_ =	shalt  }
0x7e: {  	_ =	shalt  }
0x7f: {  	_ =	shalt  }
0x80: {  	_ =	shalt  }
0x81: {  	_ =	shalt  }
0x82: {  	_ =	shalt  }
0x83: {  	_ =	shalt  }
0x84: {  	_ =	shalt  }
0x85: {  	_ =	shalt  }
0x86: {  	_ =	shalt  }
0x87: {  	_ =	shalt  }
.Lfunc_end0:
.L_simem_size_0:
called_computation_lowered:
.L_overlay_start_0:
0x88: {  	s2 =	sld [smem:$0x3FD9]  }
0x89: {  	s3 =	sld [smem:$0x3FFE];
	_ =	sdelay $0x1  }
0x8a: {  	s1 =	srdreg.scid  }
0x8b: {  	s0 =	sand.u32 $0x1, s1  }
0x8c: {  	s14 =	sshll.u32 s0, $0xA;
	s2 =	sadd.s32 s3, s2  }
0x8d: {  	s2 =	sadd.s32 s2, s14  }
0x8e: {  	[smem:$0x3FC4] =	sst s2  }
0x8f: {  	_ = 	snop  }
0x90: {  	s2 =	sld [smem:$0x3FD0];
	_ =	sdelay $0x2  }
0x91: {  	s15 =	simm.s32 $0xA;
	s4 =	simm.s32 $0x10  }
0x92: {  	[smem:s4], [sflag:s15] =	dma.local [hbm:s2], $0x1  }
0x93: {  	_ =	swait.eq [sflag:s15], $0x1  }
0x94: {  	s16 =	sld [smem:$0x10];
	[sflag:s15] =	ssyncset.done $0x0  }
0x95: {  	s17 =	sld [smem:$0x12];
	[sflag:s15] =	ssyncadd.s32 $0xFFFFFFFF  }
0x96: {  	s18 =	sld [smem:$0x14];
	(tm) =	ssettm $0x1  }
0x97: {  	s5 =	sld [smem:$0x3FFB];
	_ =	sdelay $0x3  }
0x98: {  	_ =	strace s5  }
0x99: {  	s5 =	sld [smem:$0x3FFC];
	_ =	sdelay $0x3  }
0x9a: {  	_ =	strace s5  }
0x9b: {  	s5 =	sld [smem:$0x3FFD];
	_ =	sdelay $0x3  }
0x9c: {  	_ =	strace s5  }
0x9d: {  	_ =	strace $0x8FFFFFFF  }
0x9e: {  	s19 =	sld [smem:$0x3FDB];
	_ =	sdelay $0x1  }
0x9f: {  	s6 =	simm.s32 $_scs_section_size  }
0xa0: {  	s7 =	simm.s32 $_size__tile_overlayer_lowered;
	s8 =	simm.s32 $_tile_overlayer_lowered  }
0xa1: {  	s22 =	simm.s32 $0x1BFF;
	s21 =	sshll.u32 s8, $0x1;
	s5 =	sadd.s32 s6, s19  }
0xa2: {  	s9 =	simm.s32 $0x0;
	s20 =	sshll.u32 s7, $0x1;
	s7 =	sadd.s32 s21, s5  }
0xa3: {  	[timem:s9], [sflag:s22] =	dma.local [hbm:s7], s20  }
0xa4: {  	_ =	swait.ge [sflag:s22], s20  }
0xa5: {  	s6 =	ssub.s32 $0x0, s20;
	[sflag:s22] =	ssyncset.done $0x0  }
0xa6: {  	[sflag:s22] =	ssyncadd.s32 s6;
	_ =	sdelay $0x1  }
0xa7: {  	s23 =	simm.s32 $0x1B8B  }
0xa8: {  	_ =	swait.ge [sflag:s23], $0x1  }
0xa9: {  	[sflag:s23] =	ssyncset.done $0x0  }
0xaa: {  	s25 =	simm.s32 $0x1B8E;
	s24 =	sld [smem:$0x3FFE];
	[sflag:s23] =	ssyncadd.s32 $0xFFFFFFFF  }
0xab: {  	s26 =	simm.s32 $execute0_lowered;
	[smem:$0x3FD2] =	sst s25  }
0xac: {  	s7 =	sshll.u32 s26, $0x1;
	_ =	strace $0x80000046;
	[dreg:$0x1] =	wrdreg $0xFFFFFFFF  }
0xad: {  	s28 =	simm.s32 $_size_execute0_lowered;
	s5 =	sadd.s32 s5, s7;
	[dreg:$0x0] =	wrdreg $0x0  }
0xae: {  	s7 =	sshll.u32 s28, $0x1;
	[dreg:$0x2] =	wrdreg s5  }
0xaf: {  	[dreg:$0x3] =	wrdreg s7  }
0xb0: {  	[dreg:$0x4] =	wrdreg $0xC0  }
0xb1: {  	_ =	task [dreg:s9], $0x5FFFF  }
0xb2: {  	[dreg:$0x1] =	wrdreg $0xFFFFFFFF  }
0xb3: {  	[dreg:$0x0] =	wrdreg $0x60  }
0xb4: {  	[dreg:$0x2] =	wrdreg s24  }
0xb5: {  	[dreg:$0x3] =	wrdreg s18  }
0xb6: {  	[dreg:$0x4] =	wrdreg s17  }
0xb7: {  	[dreg:$0x5] =	wrdreg s16  }
0xb8: {  	[dreg:$0x6] =	wrdreg $0x9  }
0xb9: {  	_ =	task.clear_ibuf [dreg:s9], $0x7FFFF;
	_ =	strace $0x90000046  }
0xba: {  	s29 =	simm.s32 $0x9;
	_ =	strace $0x80000048  }
0xbb: {  	_ =	swait.ge [sflag:s29], $0x1  }
0xbc: {  	[sflag:s29] =	ssyncadd.s32 $0xFFFFFFFF  }
0xbd: {  	_ =	strace $0x90000048  }
0xbe: {  	_ =	sfence  }
0xbf: {  	s30 =	sld [smem:$0x0];
	_ =	sdelay $0x2  }
0xc0: {  	s31 =	sshll.u32 s1, $0xD;
	s1 =	sshrl.u32 s1, $0x2  }
0xc1: {  	s3 =	sand.u32 $0x4000, s31;
	s1 =	sadd.s32 s1, s30  }
0xc2: {  	s0 =	sor.u32 s3, s0;
	s1 =	sshll.u32 s1, $0x11  }
0xc3: {  	s0 =	sor.u32 s1, s0  }
0xc4: {  	s0 =	sadd.s32 $0x8F2B, s0  }
0xc5: {  	[sflag:s0] =	ssyncadd.remote.s32 $0x1  }
0xc6: {  	_ =	sfence.sel $0xFFFF  }
0xc7: {  	[dreg:$0x0] =	wrdreg $0xFFFFFFFF;
	(pc) =	sbr.abs _section_cstart, $3  }
0xc8: {  	[dreg:$0x1] =	wrdreg $0xFFFFFFFF  }
0xc9: {  	_ =	task.clear_ibuf [dreg:s9], $0x2FFFF;
	_ =	strace $0x9FFFFFFF  }
0xca: {  	(tm) =	ssettm $0x7FFFFFFF  }
0xcb: {  	_ =	shalt  }
tec
execute0_lowered:
.L_overlay_start_1:
0x0: {  	(tag) =	ssettag $0x1  }
0x1: {  	s4 =	rddreg [dreg:$0x0]  }
0x2: {  	s1 =	rddreg [dreg:$0x1]  }
0x3: {  	s5 =	rddreg [dreg:$0x2];
	s2 =	srdreg.scid  }
0x4: {  	s0 =	stileid.u32;
	s7 =	rddreg [dreg:$0x3]  }
0x5: {  	s3 =	simm.s32 $0x0;
	s14 =	simm.s32 $0x2000;
	s15 =	simm.s32 $0x2400  }
0x6: {  	s16 =	simm.s32 $0x2980;
	s6 =	sand.u32 $0x1, s2;
	s2 =	rddreg [dreg:$0x4]  }
0x7: {  	s17 =	simm.s32 $0x0;
	s8 =	sshll.u32 s0, $0x1;
	[smem:$0x7FF] =	sst s3  }
0x8: {  	s8 =	sor.u32 s6, s8;
	_ =	strace $0x80000047;
	s6 =	ssub.s32 $0x2, s6  }
0x9: {  	s9 =	sshll.u32 s8, $0xA;
	s10 =	sshll.u32 s8, $0x7;
	s8 =	sshll.u32 s8, $0x1  }
0xa: {  	s31 =	sshrl.u32 s6, $0x1;
	s9 =	sadd.s32 s9, s4;
	s11 =	sadd.s32 s10, s4  }
0xb: {  	s12 =	sadd.s32 s8, s4;
	s13 =	ssub.s32 s6, s31;
	s5 =	sadd.s32 s5, s10  }
0xc: {  	s7 =	sadd.s32 s7, s8;
	s10 =	simm.s32 $0x1;
	s4 =	sadd.s32 $0xE00, s9  }
0xd: {  	v0 =	vimm.f32 $0.0e+00;
	v1 =	vlaneseq.u32;
	s6 =	sadd.s32 $0x9000, s11;
	s8 =	sadd.s32 $0x8E00, s12;
	s9 =	smax.u32 s13, $0x1  }
0xe: {  	v2 =	vimm.s32 $0xF;
	v3 =	vimm.f32 $1.000000000e+00;
	v4 =	vmul.u32 $0x10, v1;
	s11 =	simm.s32 $0x2800;
	s12 =	simm.s32 $0x2A00;
	s13 =	simm.s32 $0x2880  }
.LBB2_1:
0xf: {  	[tilespmem:s3], [sflag:$0x1] =	stream.linear.gather [hbm4b:s4+s3], $0x2000, $0x38;
	[tilespmem:$0x2A80] =	vst v63  }
0x10: {  	_ =	swait.ge [sflag:s10], $0x2000  }
0x11: {  	[sflag:s10] =	ssyncset.done $0x0  }
0x12: {  	[sflag:s10] =	ssyncadd.s32 $0xFFFFE000  }
0x13: {  	[tilespmem:s11], [sflag:$0x1] =	stream.linear.gather [hbm4b:s1+s3], $0x80, $0x38;
	[tilespmem:$0x2A80] =	vst v63  }
0x14: {  	_ =	swait.ge [sflag:s10], $0x80  }
0x15: {  	[sflag:s10] =	ssyncset.done $0x0  }
0x16: {  	[sflag:s10] =	ssyncadd.s32 $0xFFFFFF80  }
0x17: {  	[tilespmem:$0x2880] =	vst v0  }
0x18: {  	[tilespmem:$0x2890] =	vst v0  }
0x19: {  	[tilespmem:$0x28A0] =	vst v0  }
0x1a: {  	[tilespmem:$0x28B0] =	vst v0  }
0x1b: {  	[tilespmem:$0x28C0] =	vst v0  }
0x1c: {  	[tilespmem:$0x28D0] =	vst v0  }
0x1d: {  	[tilespmem:$0x28E0] =	vst v0  }
0x1e: {  	[tilespmem:$0x28F0] =	vst v0  }
0x1f: {  	[tilespmem:$0x2900] =	vst v0  }
0x20: {  	[tilespmem:$0x2910] =	vst v0  }
0x21: {  	[tilespmem:$0x2920] =	vst v0  }
0x22: {  	v22 =	vor.u32 s3, v1;
	[tilespmem:$0x2930] =	vst v0  }
0x23: {  	v13 =	vshll.u32 v22, $0x4;
	[tilespmem:$0x2940] =	vst v0  }
0x24: {  	v5 =	vor.u32 $0x1, v13;
	[tilespmem:$0x2950] =	vst v0  }
0x25: {  	v6 =	vor.u32 $0x2, v13;
	[tilespmem:$0x2960] =	vst v0  }
0x26: {  	v7 =	vor.u32 $0x3, v13;
	[tilespmem:$0x2970] =	vst v0  }
0x27: {  	v8 =	vor.u32 $0x4, v13;
	v20 =	vld [tilespmem:$0x2800];
	[tilespmem:$0x2A00] =	vst v0  }
0x28: {  	v14 =	vor.u32 $0x5, v13;
	v15 =	vld.idx.msk [tilespmem:v13+s3+$0x0], $0xffff  }
0x29: {  	v16 =	vor.u32 $0x6, v13;
	v17 =	vld.idx.msk [tilespmem:v5+s3+$0x0], $0xffff  }
0x2a: {  	v18 =	vor.u32 $0x7, v13;
	v21 =	vor.u32 $0x8, v13;
	v19 =	vld.idx.msk [tilespmem:v6+s3+$0x0], $0xffff  }
0x2b: {  	v24 =	vor.u32 $0x9, v13;
	v26 =	vor.u32 $0xA, v13;
	v27 =	vor.u32 $0xB, v13;
	v23 =	vld.idx.msk [tilespmem:v7+s3+$0x0], $0xffff  }
0x2c: {  	v31 =	vor.u32 $0xE, v13;
	v25 =	vld.idx.msk [tilespmem:v8+s3+$0x0], $0xffff;
	v9 =	vbroadcast v20, $0x0;
	v12 =	vbroadcast v20, $0x1  }
0x2d: {  	v32 =	vor.u32 $0xF, v13;
	v14 =	vld.idx.msk [tilespmem:v14+s3+$0x0], $0xffff;
	v10 =	vbroadcast v20, $0x2;
	v11 =	vbroadcast v20, $0x3  }
0x2e: {  	v16 =	vld.idx.msk [tilespmem:v16+s3+$0x0], $0xffff;
	v7 =	vbroadcast v20, $0x4;
	v28 =	vadd.f32 v15, v9;
	v29 =	vadd.f32 v17, v12  }
0x2f: {  	v6 =	vbroadcast v20, $0x5;
	v15 =	vor.u32 $0xC, v13;
	v17 =	vld.idx.msk [tilespmem:v18+s3+$0x0], $0xffff;
	v30 =	vadd.f32 v19, v10  }
0x30: {  	v18 =	vor.u32 $0xD, v13;
	v19 =	vld.idx.msk [tilespmem:v21+s3+$0x0], $0xffff;
	v21 =	vadd.f32 v23, v11;
	v23 =	vmax.f32 v28, v29  }
0x31: {  	v24 =	vld.idx.msk [tilespmem:v24+s3+$0x0], $0xffff;
	v5 =	vbroadcast v20, $0x6;
	v25 =	vadd.f32 v25, v7;
	v23 =	vmax.f32 v23, v30  }
0x32: {  	v26 =	vld.idx.msk [tilespmem:v26+s3+$0x0], $0xffff;
	v8 =	vbroadcast v20, $0x7;
	v33 =	vadd.f32 v14, v6;
	v14 =	vmax.f32 v23, v21  }
0x33: {  	v13 =	vbroadcast v20, $0x8;
	v23 =	vld.idx.msk [tilespmem:v27+s3+$0x0], $0xffff;
	v27 =	vadd.f32 v16, v5;
	v16 =	vmax.f32 v14, v25  }
0x34: {  	v14 =	vbroadcast v20, $0x9;
	v34 =	vld.idx.msk [tilespmem:v15+s3+$0x0], $0xffff;
	v35 =	vadd.f32 v17, v8;
	v16 =	vmax.f32 v16, v33  }
0x35: {  	v15 =	vbroadcast v20, $0xA;
	v36 =	vld.idx.msk [tilespmem:v18+s3+$0x0], $0xffff;
	v37 =	vadd.f32 v19, v13;
	v17 =	vmax.f32 v16, v27  }
0x36: {  	v31 =	vld.idx.msk [tilespmem:v31+s3+$0x0], $0xffff;
	v16 =	vbroadcast v20, $0xB;
	v24 =	vadd.f32 v24, v14;
	v18 =	vmax.f32 v17, v35  }
0x37: {  	v32 =	vld.idx.msk [tilespmem:v32+s3+$0x0], $0xffff;
	v26 =	vadd.f32 v26, v15;
	v17 =	vbroadcast v20, $0xC;
	v19 =	vmax.f32 v18, v37  }
0x38: {  	v18 =	vbroadcast v20, $0xD;
	v38 =	vadd.f32 v23, v16;
	v23 =	vmax.f32 v19, v24  }
0x39: {  	v19 =	vbroadcast v20, $0xE;
	v34 =	vadd.f32 v34, v17;
	v23 =	vmax.f32 v23, v26  }
0x3a: {  	v20 =	vbroadcast v20, $0xF;
	v36 =	vadd.f32 v36, v18;
	v23 =	vmax.f32 v23, v38  }
0x3b: {  	v31 =	vadd.f32 v31, v19;
	v23 =	vmax.f32 v23, v34  }
0x3c: {  	v32 =	vadd.f32 v32, v20;
	v23 =	vmax.f32 v23, v36  }
0x3d: {  	v23 =	vmax.f32 v23, v31  }
0x3e: {  	v39 =	vmax.f32 v23, v32  }
0x3f: {  	vm0 =	veq.f32 v31, v39  }
0x40: {  	vm11 =	veq.f32 v36, v39;
	v23 =	vsel vm0, $0xE, v2  }
0x41: {  	vm12 =	veq.f32 v34, v39;
	v23 =	vsel vm11, $0xD, v23  }
0x42: {  	vm13 =	veq.f32 v38, v39;
	v23 =	vsel vm12, $0xC, v23  }
0x43: {  	vm14 =	veq.f32 v26, v39;
	v23 =	vsel vm13, $0xB, v23  }
0x44: {  	vm15 =	veq.f32 v24, v39;
	v23 =	vsel vm14, $0xA, v23  }
0x45: {  	vm4 =	veq.f32 v37, v39;
	v23 =	vsel vm15, $0x9, v23  }
0x46: {  	vm1 =	veq.f32 v35, v39;
	v23 =	vsel vm4, $0x8, v23  }
0x47: {  	vm5 =	veq.f32 v27, v39;
	v23 =	vsel vm1, $0x7, v23  }
0x48: {  	vm6 =	veq.f32 v33, v39;
	v23 =	vsel vm5, $0x6, v23  }
0x49: {  	vm7 =	veq.f32 v25, v39;
	v23 =	vsel vm6, $0x5, v23  }
0x4a: {  	vm8 =	veq.f32 v21, v39;
	v23 =	vsel vm7, $0x4, v23  }
0x4b: {  	vm9 =	veq.f32 v30, v39;
	v23 =	vsel vm8, $0x3, v23  }
0x4c: {  	vm10 =	veq.f32 v29, v39;
	v23 =	vsel vm9, $0x2, v23  }
0x4d: {  	vm11 =	veq.f32 v28, v39;
	v23 =	vsel vm10, $0x1, v23  }
0x4e: {  	v23 =	vsel vm11, $0x0, v23  }
0x4f: {  	vm0 =	veq.s32 v23, $0x0;
	vm12 =	veq.s32 v23, $0x1  }
0x50: {  	vm2 =	veq.s32 v23, $0x2;
	v28 =	vsel vm0, $0xFF800000, v28;
	v29 =	vsel vm12, $0xFF800000, v29  }
0x51: {  	vm13 =	veq.s32 v23, $0x3;
	v30 =	vsel vm2, $0xFF800000, v30;
	v40 =	vmax.f32 v28, v29  }
0x52: {  	vm14 =	veq.s32 v23, $0x4;
	v21 =	vsel vm13, $0xFF800000, v21;
	v40 =	vmax.f32 v40, v30  }
0x53: {  	vm15 =	veq.s32 v23, $0x5;
	v25 =	vsel vm14, $0xFF800000, v25;
	v40 =	vmax.f32 v40, v21  }
0x54: {  	vm4 =	veq.s32 v23, $0x6;
	v33 =	vsel vm15, $0xFF800000, v33;
	v40 =	vmax.f32 v40, v25  }
0x55: {  	vm5 =	veq.s32 v23, $0x7;
	v27 =	vsel vm4, $0xFF800000, v27;
	v40 =	vmax.f32 v40, v33  }
0x56: {  	vm6 =	veq.s32 v23, $0x8;
	v35 =	vsel vm5, $0xFF800000, v35;
	v40 =	vmax.f32 v40, v27  }
0x57: {  	vm7 =	veq.s32 v23, $0x9;
	v37 =	vsel vm6, $0xFF800000, v37;
	v40 =	vmax.f32 v40, v35  }
0x58: {  	vm8 =	veq.s32 v23, $0xA;
	v24 =	vsel vm7, $0xFF800000, v24;
	v40 =	vmax.f32 v40, v37  }
0x59: {  	vm9 =	veq.s32 v23, $0xB;
	v26 =	vsel vm8, $0xFF800000, v26;
	v40 =	vmax.f32 v40, v24  }
0x5a: {  	vm10 =	veq.s32 v23, $0xC;
	v38 =	vsel vm9, $0xFF800000, v38;
	v40 =	vmax.f32 v40, v26  }
0x5b: {  	vm11 =	veq.s32 v23, $0xD;
	v34 =	vsel vm10, $0xFF800000, v34;
	v40 =	vmax.f32 v40, v38  }
0x5c: {  	vm12 =	veq.s32 v23, $0xE;
	v36 =	vsel vm11, $0xFF800000, v36;
	v40 =	vmax.f32 v40, v34  }
0x5d: {  	v31 =	vsel vm12, $0xFF800000, v31;
	v40 =	vmax.f32 v40, v36  }
0x5e: {  	v40 =	vmax.f32 v40, v31  }
0x5f: {  	vm13 =	veq.s32 v23, $0xF;
	v32 =	vmax.f32 v40, v32  }
0x60: {  	v32 =	vsel vm13, v40, v32  }
0x61: {  	vm0 =	veq.f32 v31, v32  }
0x62: {  	vm14 =	veq.f32 v36, v32;
	v31 =	vsel vm0, $0xE, v2  }
0x63: {  	vm15 =	veq.f32 v34, v32;
	v31 =	vsel vm14, $0xD, v31  }
0x64: {  	vm4 =	veq.f32 v38, v32;
	v31 =	vsel vm15, $0xC, v31  }
0x65: {  	vm5 =	veq.f32 v26, v32;
	v31 =	vsel vm4, $0xB, v31  }
0x66: {  	vm6 =	veq.f32 v24, v32;
	v26 =	vsel vm5, $0xA, v31  }
0x67: {  	vm7 =	veq.f32 v37, v32;
	v24 =	vsel vm6, $0x9, v26  }
0x68: {  	vm8 =	veq.f32 v35, v32;
	v24 =	vsel vm7, $0x8, v24  }
0x69: {  	vm9 =	veq.f32 v27, v32;
	v24 =	vsel vm8, $0x7, v24  }
0x6a: {  	vm10 =	veq.f32 v33, v32;
	v24 =	vsel vm9, $0x6, v24  }
0x6b: {  	vm11 =	veq.f32 v25, v32;
	v24 =	vsel vm10, $0x5, v24  }
0x6c: {  	vm12 =	veq.f32 v21, v32;
	v21 =	vsel vm11, $0x4, v24  }
0x6d: {  	vm13 =	veq.f32 v30, v32;
	v21 =	vsel vm12, $0x3, v21  }
0x6e: {  	vm14 =	veq.f32 v29, v32;
	v21 =	vsel vm13, $0x2, v21  }
0x6f: {  	vm15 =	veq.f32 v28, v32;
	v21 =	vsel vm14, $0x1, v21  }
0x70: {  	v24 =	vsel vm15, $0x0, v21;
	_ =	sdelay $0x3  }
0x71: {  	v25 =	vld.idx.msk [tilespmem:v23+s11+$0x0], $0xffff  }
0x72: {  	v26 =	vld.idx.msk [tilespmem:v24+s11+$0x0], $0xffff;
	_ =	sdelay $0x3  }
0x73: {  	v21 =	vld.msk [tilespmem:$0x2810 ss:$0x0], $0xffff  }
0x74: {  	v25 =	vsub.f32 v39, v25;
	v26 =	vsub.f32 v32, v26;
	_ =	sdelay $0x1  }
0x75: {  	v27 =	vadd.f32 v26, v25;
	_ =	sdelay $0x1  }
0x76: {  	v27 =	vadd.f32 v27, v21;
	_ =	sdelay $0x1  }
0x77: {  	(erf) = vrcp.f32 v27;
	_ =	sdelay $0x8  }
0x78: {  	v27 =	vpop (erf)  }
0x79: {  	v28 =	vmul.f32 v27, v25  }
0x7a: {  	v62 =	vmul.f32 v27, v26  }
0x7b: {  	v25 =	vand.u32 $0x7FFFFF, v28  }
0x7c: {  	v26 =	vand.u32 $0x7FFFFF, v62;
	v25 =	vor.u32 $0x3F800000, v25  }
0x7d: {  	v26 =	vor.u32 $0x3F800000, v26;
	v27 =	vadd.f32 $1.000000000e+00, v25  }
0x7e: {  	v29 =	vadd.f32 $1.000000000e+00, v26  }
0x7f: {  	(erf) = vrcp.f32 v27  }
0x80: {  	(erf) = vrcp.f32 v29;
	_ =	sdelay $0x6  }
0x81: {  	v25 =	vadd.f32 $-1.000000000e+00, v25  }
0x82: {  	v26 =	vadd.f32 $-1.000000000e+00, v26;
	v27 =	vpop (erf)  }
0x83: {  	v25 =	vmul.f32 v27, v25;
	v27 =	vpop (erf)  }
0x84: {  	v26 =	vmul.f32 v27, v26  }
0x85: {  	v27 =	vmul.f32 v25, v25  }
0x86: {  	v29 =	vmul.f32 v26, v26  }
0x87: {  	v30 =	vmul.f32 $2.857142980e-01, v27  }
0x88: {  	v31 =	vmul.f32 $2.857142980e-01, v29  }
0x89: {  	v30 =	vadd.f32 $4.000000060e-01, v30  }
0x8a: {  	v31 =	vadd.f32 $4.000000060e-01, v31  }
0x8b: {  	v30 =	vmul.f32 v30, v27  }
0x8c: {  	v31 =	vmul.f32 v31, v29  }
0x8d: {  	v30 =	vadd.f32 $6.666666860e-01, v30  }
0x8e: {  	v31 =	vadd.f32 $6.666666860e-01, v31  }
0x8f: {  	v63 =	vshra.s32 v62, $0x17;
	v27 =	vmul.f32 v30, v27  }
0x90: {  	v32 =	vadd.s32 $0xFFFFFF81, v63;
	v30 =	vshra.s32 v28, $0x17;
	v29 =	vmul.f32 v31, v29  }
0x91: {  	v30 =	vadd.s32 $0xFFFFFF81, v30;
	v31 =	vcvt.s32.f32 v32;
	v27 =	vadd.f32 $2.000000000e+00, v27  }
0x92: {  	v30 =	vcvt.s32.f32 v30;
	v29 =	vadd.f32 $2.000000000e+00, v29  }
0x93: {  	v31 =	vmul.f32 $6.931471820e-01, v31;
	v25 =	vmul.f32 v27, v25  }
0x94: {  	v27 =	vmul.f32 $6.931471820e-01, v30;
	v26 =	vmul.f32 v29, v26;
	_ =	sdelay $0x1  }
0x95: {  	v25 =	vadd.f32 v25, v27;
	v26 =	vadd.f32 v26, v31;
	_ =	sdelay $0x1  }
0x96: {  	v25 =	vmul.f32 v25, v28;
	v26 =	vmul.f32 v26, v62;
	_ =	sdelay $0x1  }
0x97: {  	v29 =	vadd.s32 v4, v23;
	v25 =	vadd.f32 v26, v25  }
0x98: {  	v30 =	vadd.s32 v4, v24  }
0x99: {  	v27 =	vshll.u32 v22, $0x1;
	v22 =	vsub.f32 $0.0e+00, v25  }
0x9a: {  	v26 =	vor.u32 $0x1, v27  }
0x9b: {  	s18 =	simm.s32 $0x10;
	[tilespmem:s12+$0x0] =	vst.add.f32.msk $0xffff, v22  }
0x9c: {  	v22 =	vor.u32 s18, v1;
	[tilespmem:v29+s13+$0x0] =	vst.idx.add.f32.msk $0xffff, v3  }
0x9d: {  	v25 =	vshll.u32 v22, $0x4;
	[tilespmem:v30+s13+$0x0] =	vst.idx.add.f32.msk $0xffff, v3  }
0x9e: {  	v33 =	vor.u32 $0x1, v25;
	v31 =	vor.u32 $0x2, v25;
	v29 =	vor.u32 $0x3, v25;
	[tilespmem:v27+s14+$0x0] =	vst.idx.msk $0xffff, v28  }
0x9f: {  	s18 =	simm.s32 $0x20;
	v32 =	vor.u32 $0x4, v25;
	v30 =	vor.u32 $0x5, v25;
	v28 =	vor.u32 $0x6, v25;
	[tilespmem:v26+s14+$0x0] =	vst.idx.msk $0xffff, v62  }
.LBB2_2:
0xa0: {  	p0 =	sne.s32 s18, $0x1F0;
	v34 =	vor.u32 $0x7, v25;
	v35 =	vor.u32 $0x8, v25;
	v36 =	vor.u32 $0x9, v25;
	[tilespmem:v27+s15+$0x0] =	vst.idx.msk $0xffff, v23;
	s19 =	smov.u32 s18;
	s18 =	sadd.s32 $0x10, s18  }
0xa1: {  	v23 =	vor.u32 $0xA, v25;
	v27 =	vor.u32 $0xB, v25;
	v37 =	vor.u32 $0xC, v25;
	[tilespmem:v26+s15+$0x0] =	vst.idx.msk $0xffff, v24  }
0xa2: {  	v38 =	vor.u32 $0xE, v25;
	v26 =	vor.u32 $0xD, v25;
	v24 =	vld.idx.msk [tilespmem:v25+s3+$0x0], $0xffff;
	v25 =	vor.u32 $0xF, v25  }
0xa3: {  	v33 =	vld.idx.msk [tilespmem:v33+s3+$0x0], $0xffff  }
0xa4: {  	v31 =	vld.idx.msk [tilespmem:v31+s3+$0x0], $0xffff  }
0xa5: {  	v29 =	vld.idx.msk [tilespmem:v29+s3+$0x0], $0xffff  }
0xa6: {  	v32 =	vld.idx.msk [tilespmem:v32+s3+$0x0], $0xffff  }
0xa7: {  	v30 =	vld.idx.msk [tilespmem:v30+s3+$0x0], $0xffff  }
0xa8: {  	v28 =	vld.idx.msk [tilespmem:v28+s3+$0x0], $0xffff  }
0xa9: {  	v24 =	vadd.f32 v24, v9;
	v33 =	vadd.f32 v33, v12;
	v34 =	vld.idx.msk [tilespmem:v34+s3+$0x0], $0xffff  }
0xaa: {  	v31 =	vadd.f32 v31, v10;
	v35 =	vld.idx.msk [tilespmem:v35+s3+$0x0], $0xffff  }
0xab: {  	v29 =	vadd.f32 v29, v11;
	v39 =	vmax.f32 v24, v33;
	v36 =	vld.idx.msk [tilespmem:v36+s3+$0x0], $0xffff  }
0xac: {  	v32 =	vadd.f32 v32, v7;
	v39 =	vmax.f32 v39, v31;
	v23 =	vld.idx.msk [tilespmem:v23+s3+$0x0], $0xffff  }
0xad: {  	v30 =	vadd.f32 v30, v6;
	v39 =	vmax.f32 v39, v29;
	v27 =	vld.idx.msk [tilespmem:v27+s3+$0x0], $0xffff  }
0xae: {  	v28 =	vadd.f32 v28, v5;
	v39 =	vmax.f32 v39, v32;
	v37 =	vld.idx.msk [tilespmem:v37+s3+$0x0], $0xffff  }
0xaf: {  	v34 =	vadd.f32 v34, v8;
	v39 =	vmax.f32 v39, v30;
	v26 =	vld.idx.msk [tilespmem:v26+s3+$0x0], $0xffff  }
0xb0: {  	v35 =	vadd.f32 v35, v13;
	v39 =	vmax.f32 v39, v28;
	v38 =	vld.idx.msk [tilespmem:v38+s3+$0x0], $0xffff  }
0xb1: {  	v36 =	vadd.f32 v36, v14;
	v39 =	vmax.f32 v39, v34;
	v25 =	vld.idx.msk [tilespmem:v25+s3+$0x0], $0xffff  }
0xb2: {  	v40 =	vadd.f32 v23, v15;
	v23 =	vmax.f32 v39, v35  }
0xb3: {  	v27 =	vadd.f32 v27, v16;
	v23 =	vmax.f32 v23, v36  }
0xb4: {  	v37 =	vadd.f32 v37, v17;
	v23 =	vmax.f32 v23, v40  }
0xb5: {  	v26 =	vadd.f32 v26, v18;
	v23 =	vmax.f32 v23, v27  }
0xb6: {  	v38 =	vadd.f32 v38, v19;
	v23 =	vmax.f32 v23, v37  }
0xb7: {  	v39 =	vadd.f32 v25, v20;
	v23 =	vmax.f32 v23, v26  }
0xb8: {  	v23 =	vmax.f32 v23, v38  }
0xb9: {  	v25 =	vmax.f32 v23, v39  }
0xba: {  	vm0 =	veq.f32 v38, v25;
	vm1 =	veq.f32 v34, v25;
	vm2 =	veq.f32 v28, v25  }
0xbb: {  	vm3 =	veq.f32 v30, v25;
	v23 =	vsel vm0, $0xE, v2;
	vm0 =	veq.f32 v26, v25  }
0xbc: {  	vm4 =	veq.f32 v32, v25;
	v23 =	vsel vm0, $0xD, v23;
	vm0 =	veq.f32 v37, v25  }
0xbd: {  	vm5 =	veq.f32 v29, v25;
	v23 =	vsel vm0, $0xC, v23;
	vm0 =	veq.f32 v27, v25  }
0xbe: {  	vm6 =	veq.f32 v31, v25;
	v23 =	vsel vm0, $0xB, v23;
	vm0 =	veq.f32 v40, v25  }
0xbf: {  	vm7 =	veq.f32 v33, v25;
	v23 =	vsel vm0, $0xA, v23;
	vm0 =	veq.f32 v36, v25  }
0xc0: {  	vm8 =	veq.f32 v24, v25;
	v23 =	vsel vm0, $0x9, v23;
	vm0 =	veq.f32 v35, v25  }
0xc1: {  	v23 =	vsel vm0, $0x8, v23  }
0xc2: {  	v23 =	vsel vm1, $0x7, v23  }
0xc3: {  	v23 =	vsel vm2, $0x6, v23  }
0xc4: {  	v23 =	vsel vm3, $0x5, v23  }
0xc5: {  	v23 =	vsel vm4, $0x4, v23  }
0xc6: {  	v23 =	vsel vm5, $0x3, v23  }
0xc7: {  	v23 =	vsel vm6, $0x2, v23  }
0xc8: {  	v23 =	vsel vm7, $0x1, v23  }
0xc9: {  	v23 =	vsel vm8, $0x0, v23  }
0xca: {  	vm0 =	veq.s32 v23, $0x0;
	vm1 =	veq.s32 v23, $0x1;
	vm2 =	veq.s32 v23, $0x2  }
0xcb: {  	v24 =	vsel vm0, $0xFF800000, v24;
	v33 =	vsel vm1, $0xFF800000, v33;
	v31 =	vsel vm2, $0xFF800000, v31  }
0xcc: {  	vm0 =	veq.s32 v23, $0x3;
	vm1 =	veq.s32 v23, $0x4;
	v41 =	vmax.f32 v24, v33  }
0xcd: {  	v29 =	vsel vm0, $0xFF800000, v29;
	v32 =	vsel vm1, $0xFF800000, v32;
	v41 =	vmax.f32 v41, v31  }
0xce: {  	vm0 =	veq.s32 v23, $0x5;
	vm1 =	veq.s32 v23, $0x6;
	v41 =	vmax.f32 v41, v29  }
0xcf: {  	v30 =	vsel vm0, $0xFF800000, v30;
	v28 =	vsel vm1, $0xFF800000, v28;
	v41 =	vmax.f32 v41, v32  }
0xd0: {  	vm0 =	veq.s32 v23, $0x7;
	vm1 =	veq.s32 v23, $0x8;
	v41 =	vmax.f32 v41, v30  }
0xd1: {  	v34 =	vsel vm0, $0xFF800000, v34;
	vm0 =	veq.s32 v23, $0x9;
	v41 =	vmax.f32 v41, v28  }
0xd2: {  	v35 =	vsel vm1, $0xFF800000, v35;
	vm1 =	veq.s32 v23, $0xA;
	v41 =	vmax.f32 v41, v34  }
0xd3: {  	v36 =	vsel vm0, $0xFF800000, v36;
	vm0 =	veq.s32 v23, $0xB;
	v41 =	vmax.f32 v41, v35  }
0xd4: {  	v40 =	vsel vm1, $0xFF800000, v40;
	vm1 =	veq.s32 v23, $0xC;
	v41 =	vmax.f32 v41, v36  }
0xd5: {  	v27 =	vsel vm0, $0xFF800000, v27;
	vm0 =	veq.s32 v23, $0xD;
	v41 =	vmax.f32 v41, v40  }
0xd6: {  	v37 =	vsel vm1, $0xFF800000, v37;
	vm1 =	veq.s32 v23, $0xE;
	v41 =	vmax.f32 v41, v27  }
0xd7: {  	v26 =	vsel vm0, $0xFF800000, v26;
	v41 =	vmax.f32 v41, v37  }
0xd8: {  	v38 =	vsel vm1, $0xFF800000, v38;
	v41 =	vmax.f32 v41, v26  }
0xd9: {  	v41 =	vmax.f32 v41, v38  }
0xda: {  	vm0 =	veq.s32 v23, $0xF;
	v39 =	vmax.f32 v41, v39  }
0xdb: {  	v39 =	vsel vm0, v41, v39  }
0xdc: {  	vm0 =	veq.f32 v38, v39;
	vm1 =	veq.f32 v34, v39;
	vm2 =	veq.f32 v28, v39  }
0xdd: {  	vm3 =	veq.f32 v30, v39;
	v28 =	vsel vm0, $0xE, v2;
	vm0 =	veq.f32 v26, v39  }
0xde: {  	vm4 =	veq.f32 v32, v39;
	v26 =	vsel vm0, $0xD, v28;
	vm0 =	veq.f32 v37, v39  }
0xdf: {  	vm5 =	veq.f32 v29, v39;
	v26 =	vsel vm0, $0xC, v26;
	vm0 =	veq.f32 v27, v39  }
0xe0: {  	vm6 =	veq.f32 v31, v39;
	v26 =	vsel vm0, $0xB, v26;
	vm0 =	veq.f32 v40, v39  }
0xe1: {  	vm7 =	veq.f32 v33, v39;
	v26 =	vsel vm0, $0xA, v26;
	vm0 =	veq.f32 v36, v39  }
0xe2: {  	vm8 =	veq.f32 v24, v39;
	v26 =	vsel vm0, $0x9, v26;
	vm0 =	veq.f32 v35, v39  }
0xe3: {  	v24 =	vsel vm0, $0x8, v26  }
0xe4: {  	v24 =	vsel vm1, $0x7, v24  }
0xe5: {  	v24 =	vsel vm2, $0x6, v24  }
0xe6: {  	v24 =	vsel vm3, $0x5, v24  }
0xe7: {  	v24 =	vsel vm4, $0x4, v24  }
0xe8: {  	v24 =	vsel vm5, $0x3, v24  }
0xe9: {  	v24 =	vsel vm6, $0x2, v24  }
0xea: {  	v24 =	vsel vm7, $0x1, v24  }
0xeb: {  	v24 =	vsel vm8, $0x0, v24;
	_ =	sdelay $0x3  }
0xec: {  	v26 =	vld.idx.msk [tilespmem:v23+s11+$0x0], $0xffff  }
0xed: {  	v27 =	vld.idx.msk [tilespmem:v24+s11+$0x0], $0xffff;
	_ =	sdelay $0x5  }
0xee: {  	v25 =	vsub.f32 v25, v26;
	v26 =	vsub.f32 v39, v27;
	_ =	sdelay $0x1  }
0xef: {  	v27 =	vadd.f32 v26, v25;
	_ =	sdelay $0x1  }
0xf0: {  	v27 =	vadd.f32 v27, v21;
	_ =	sdelay $0x1  }
0xf1: {  	(erf) = vrcp.f32 v27;
	_ =	sdelay $0x8  }
0xf2: {  	v27 =	vpop (erf)  }
0xf3: {  	v28 =	vmul.f32 v27, v25;
	v34 =	vmul.f32 v27, v26;
	_ =	sdelay $0x1  }
0xf4: {  	v25 =	vshra.s32 v28, $0x17;
	v26 =	vand.u32 $0x7FFFFF, v28;
	v27 =	vand.u32 $0x7FFFFF, v34  }
0xf5: {  	v29 =	vshra.s32 v34, $0x17;
	v26 =	vor.u32 $0x3F800000, v26;
	v27 =	vor.u32 $0x3F800000, v27  }
0xf6: {  	v29 =	vadd.s32 $0xFFFFFF81, v29;
	v30 =	vadd.f32 $1.000000000e+00, v26;
	v31 =	vadd.f32 $1.000000000e+00, v27  }
0xf7: {  	v25 =	vadd.s32 $0xFFFFFF81, v25;
	v29 =	vcvt.s32.f32 v29  }
0xf8: {  	(erf) = vrcp.f32 v30  }
0xf9: {  	(erf) = vrcp.f32 v31;
	_ =	sdelay $0x6  }
0xfa: {  	v26 =	vadd.f32 $-1.000000000e+00, v26;
	v27 =	vadd.f32 $-1.000000000e+00, v27  }
0xfb: {  	v30 =	vpop (erf)  }
0xfc: {  	v26 =	vmul.f32 v30, v26;
	v30 =	vpop (erf)  }
0xfd: {  	v27 =	vmul.f32 v30, v27  }
0xfe: {  	v30 =	vmul.f32 v26, v26  }
0xff: {  	v31 =	vmul.f32 v27, v27  }
0x100: {  	v32 =	vmul.f32 $2.857142980e-01, v30  }
0x101: {  	v33 =	vmul.f32 $2.857142980e-01, v31  }
0x102: {  	v32 =	vadd.f32 $4.000000060e-01, v32  }
0x103: {  	v33 =	vadd.f32 $4.000000060e-01, v33  }
0x104: {  	v32 =	vmul.f32 v32, v30  }
0x105: {  	v33 =	vmul.f32 v33, v31  }
0x106: {  	v32 =	vadd.f32 $6.666666860e-01, v32  }
0x107: {  	v33 =	vadd.f32 $6.666666860e-01, v33  }
0x108: {  	v30 =	vmul.f32 v32, v30  }
0x109: {  	v31 =	vmul.f32 v33, v31  }
0x10a: {  	v25 =	vcvt.s32.f32 v25;
	v30 =	vadd.f32 $2.000000000e+00, v30  }
0x10b: {  	v29 =	vmul.f32 $6.931471820e-01, v29;
	v31 =	vadd.f32 $2.000000000e+00, v31  }
0x10c: {  	v25 =	vmul.f32 $6.931471820e-01, v25;
	v26 =	vmul.f32 v30, v26  }
0x10d: {  	v27 =	vmul.f32 v31, v27  }
0x10e: {  	v25 =	vadd.f32 v26, v25  }
0x10f: {  	v26 =	vadd.f32 v27, v29  }
0x110: {  	v25 =	vmul.f32 v25, v28  }
0x111: {  	v26 =	vmul.f32 v26, v34  }
0x112: {  	v29 =	vadd.s32 v4, v23  }
0x113: {  	v30 =	vadd.s32 v4, v24;
	v25 =	vadd.f32 v26, v25  }
0x114: {  	v27 =	vshll.u32 v22, $0x1  }
0x115: {  	v26 =	vor.u32 $0x1, v27;
	v22 =	vsub.f32 $0.0e+00, v25;
	_ =	sdelay $0x1  }
.Ltmp0:
0x116: {  	[tilespmem:s12+$0x0] =	vst.add.f32.msk $0xffff, v22;
	(pc) =	sbr.rel @p0 .LBB2_2-.Ltmp0, $4  }
0x117: {  	v22 =	vor.u32 s19, v1;
	[tilespmem:v29+s13+$0x0] =	vst.idx.add.f32.msk $0xffff, v3  }
0x118: {  	v25 =	vshll.u32 v22, $0x4;
	[tilespmem:v30+s13+$0x0] =	vst.idx.add.f32.msk $0xffff, v3  }
0x119: {  	v33 =	vor.u32 $0x1, v25;
	v31 =	vor.u32 $0x2, v25;
	v29 =	vor.u32 $0x3, v25;
	[tilespmem:v27+s14+$0x0] =	vst.idx.msk $0xffff, v28  }
0x11a: {  	v32 =	vor.u32 $0x4, v25;
	v30 =	vor.u32 $0x5, v25;
	v28 =	vor.u32 $0x6, v25;
	[tilespmem:v26+s14+$0x0] =	vst.idx.msk $0xffff, v34  }
0x11b: {  	_ =	sdelay $0x3  }
0x11c: {  	[tilespmem:v27+s15+$0x0] =	vst.idx.msk $0xffff, v23  }
0x11d: {  	[tilespmem:v26+s15+$0x0] =	vst.idx.msk $0xffff, v24  }
0x11e: {  	v23 =	vld.idx.msk [tilespmem:v25+s3+$0x0], $0xffff  }
0x11f: {  	v24 =	vld.idx.msk [tilespmem:v33+s3+$0x0], $0xffff  }
0x120: {  	v52 =	vor.u32 $0x7, v25;
	v27 =	vld.idx.msk [tilespmem:v31+s3+$0x0], $0xffff  }
0x121: {  	v53 =	vor.u32 $0x8, v25;
	v29 =	vld.idx.msk [tilespmem:v29+s3+$0x0], $0xffff  }
0x122: {  	v54 =	vor.u32 $0x9, v25;
	v32 =	vld.idx.msk [tilespmem:v32+s3+$0x0], $0xffff  }
0x123: {  	v34 =	vor.u32 $0xA, v25;
	v30 =	vld.idx.msk [tilespmem:v30+s3+$0x0], $0xffff  }
0x124: {  	v35 =	vor.u32 $0xB, v25;
	v28 =	vld.idx.msk [tilespmem:v28+s3+$0x0], $0xffff;
	v9 =	vadd.f32 v23, v9;
	v12 =	vadd.f32 v24, v12  }
0x125: {  	v55 =	vor.u32 $0xC, v25;
	v56 =	vld.idx.msk [tilespmem:v52+s3+$0x0], $0xffff;
	v10 =	vadd.f32 v27, v10  }
0x126: {  	v57 =	vor.u32 $0xD, v25;
	v58 =	vld.idx.msk [tilespmem:v53+s3+$0x0], $0xffff;
	v11 =	vadd.f32 v29, v11;
	v59 =	vmax.f32 v9, v12  }
0x127: {  	v60 =	vor.u32 $0xE, v25;
	v33 =	vld.idx.msk [tilespmem:v54+s3+$0x0], $0xffff;
	v7 =	vadd.f32 v32, v7;
	v29 =	vmax.f32 v59, v10  }
0x128: {  	v61 =	vor.u32 $0xF, v25;
	v62 =	vld.idx.msk [tilespmem:v34+s3+$0x0], $0xffff;
	v6 =	vadd.f32 v30, v6;
	v29 =	vmax.f32 v29, v11  }
0x129: {  	v63 =	vld.idx.msk [tilespmem:v35+s3+$0x0], $0xffff;
	v28 =	vadd.f32 v28, v5;
	v5 =	vmax.f32 v29, v7  }
0x12a: {  	v23 =	vld.idx.msk [tilespmem:v55+s3+$0x0], $0xffff;
	v8 =	vadd.f32 v56, v8;
	v5 =	vmax.f32 v5, v6  }
0x12b: {  	v34 =	vld.idx.msk [tilespmem:v57+s3+$0x0], $0xffff;
	v13 =	vadd.f32 v58, v13;
	v5 =	vmax.f32 v5, v28  }
0x12c: {  	v35 =	vld.idx.msk [tilespmem:v60+s3+$0x0], $0xffff;
	v14 =	vadd.f32 v33, v14;
	v5 =	vmax.f32 v5, v8  }
0x12d: {  	v25 =	vld.idx.msk [tilespmem:v61+s3+$0x0], $0xffff;
	v15 =	vadd.f32 v62, v15;
	v5 =	vmax.f32 v5, v13  }
0x12e: {  	v16 =	vadd.f32 v63, v16;
	v5 =	vmax.f32 v5, v14  }
0x12f: {  	v17 =	vadd.f32 v23, v17;
	v5 =	vmax.f32 v5, v15  }
0x130: {  	v18 =	vadd.f32 v34, v18;
	v5 =	vmax.f32 v5, v16  }
0x131: {  	v19 =	vadd.f32 v35, v19;
	v5 =	vmax.f32 v5, v17  }
0x132: {  	v20 =	vadd.f32 v25, v20;
	v5 =	vmax.f32 v5, v18  }
0x133: {  	v5 =	vmax.f32 v5, v19  }
0x134: {  	v36 =	vmax.f32 v5, v20  }
0x135: {  	vm0 =	veq.f32 v19, v36  }
0x136: {  	vm11 =	veq.f32 v18, v36;
	v5 =	vsel vm0, $0xE, v2  }
0x137: {  	vm12 =	veq.f32 v17, v36;
	v5 =	vsel vm11, $0xD, v5  }
0x138: {  	vm13 =	veq.f32 v16, v36;
	v5 =	vsel vm12, $0xC, v5  }
0x139: {  	vm14 =	veq.f32 v15, v36;
	v5 =	vsel vm13, $0xB, v5  }
0x13a: {  	vm15 =	veq.f32 v14, v36;
	v5 =	vsel vm14, $0xA, v5  }
0x13b: {  	vm4 =	veq.f32 v13, v36;
	v5 =	vsel vm15, $0x9, v5  }
0x13c: {  	vm1 =	veq.f32 v8, v36;
	v5 =	vsel vm4, $0x8, v5  }
0x13d: {  	vm5 =	veq.f32 v28, v36;
	v5 =	vsel vm1, $0x7, v5  }
0x13e: {  	vm6 =	veq.f32 v6, v36;
	v5 =	vsel vm5, $0x6, v5  }
0x13f: {  	vm7 =	veq.f32 v7, v36;
	v5 =	vsel vm6, $0x5, v5  }
0x140: {  	vm8 =	veq.f32 v11, v36;
	v5 =	vsel vm7, $0x4, v5  }
0x141: {  	vm9 =	veq.f32 v10, v36;
	v5 =	vsel vm8, $0x3, v5  }
0x142: {  	vm10 =	veq.f32 v12, v36;
	v5 =	vsel vm9, $0x2, v5  }
0x143: {  	vm11 =	veq.f32 v9, v36;
	v5 =	vsel vm10, $0x1, v5  }
0x144: {  	v5 =	vsel vm11, $0x0, v5  }
0x145: {  	vm0 =	veq.s32 v5, $0x0;
	vm12 =	veq.s32 v5, $0x1  }
0x146: {  	vm2 =	veq.s32 v5, $0x2;
	v9 =	vsel vm0, $0xFF800000, v9;
	v12 =	vsel vm12, $0xFF800000, v12  }
0x147: {  	vm13 =	veq.s32 v5, $0x3;
	v10 =	vsel vm2, $0xFF800000, v10;
	v37 =	vmax.f32 v9, v12  }
0x148: {  	vm14 =	veq.s32 v5, $0x4;
	v11 =	vsel vm13, $0xFF800000, v11;
	v24 =	vmax.f32 v37, v10  }
0x149: {  	vm15 =	veq.s32 v5, $0x5;
	v7 =	vsel vm14, $0xFF800000, v7;
	v24 =	vmax.f32 v24, v11  }
0x14a: {  	vm4 =	veq.s32 v5, $0x6;
	v6 =	vsel vm15, $0xFF800000, v6;
	v24 =	vmax.f32 v24, v7  }
0x14b: {  	vm5 =	veq.s32 v5, $0x7;
	v38 =	vsel vm4, $0xFF800000, v28;
	v24 =	vmax.f32 v24, v6  }
0x14c: {  	vm6 =	veq.s32 v5, $0x8;
	v8 =	vsel vm5, $0xFF800000, v8;
	v24 =	vmax.f32 v24, v38  }
0x14d: {  	vm7 =	veq.s32 v5, $0x9;
	v13 =	vsel vm6, $0xFF800000, v13;
	v24 =	vmax.f32 v24, v8  }
0x14e: {  	vm8 =	veq.s32 v5, $0xA;
	v14 =	vsel vm7, $0xFF800000, v14;
	v24 =	vmax.f32 v24, v13  }
0x14f: {  	vm9 =	veq.s32 v5, $0xB;
	v15 =	vsel vm8, $0xFF800000, v15;
	v24 =	vmax.f32 v24, v14  }
0x150: {  	vm10 =	veq.s32 v5, $0xC;
	v16 =	vsel vm9, $0xFF800000, v16;
	v24 =	vmax.f32 v24, v15  }
0x151: {  	vm11 =	veq.s32 v5, $0xD;
	v17 =	vsel vm10, $0xFF800000, v17;
	v24 =	vmax.f32 v24, v16  }
0x152: {  	vm12 =	veq.s32 v5, $0xE;
	v18 =	vsel vm11, $0xFF800000, v18;
	v24 =	vmax.f32 v24, v17  }
0x153: {  	v19 =	vsel vm12, $0xFF800000, v19;
	v24 =	vmax.f32 v24, v18  }
0x154: {  	v24 =	vmax.f32 v24, v19  }
0x155: {  	vm13 =	veq.s32 v5, $0xF;
	v20 =	vmax.f32 v24, v20  }
0x156: {  	v20 =	vsel vm13, v24, v20  }
0x157: {  	vm0 =	veq.f32 v19, v20  }
0x158: {  	vm14 =	veq.f32 v18, v20;
	v19 =	vsel vm0, $0xE, v2  }
0x159: {  	vm15 =	veq.f32 v17, v20;
	v18 =	vsel vm14, $0xD, v19  }
0x15a: {  	vm4 =	veq.f32 v16, v20;
	v17 =	vsel vm15, $0xC, v18  }
0x15b: {  	vm5 =	veq.f32 v15, v20;
	v16 =	vsel vm4, $0xB, v17  }
0x15c: {  	vm6 =	veq.f32 v14, v20;
	v15 =	vsel vm5, $0xA, v16  }
0x15d: {  	vm7 =	veq.f32 v13, v20;
	v14 =	vsel vm6, $0x9, v15  }
0x15e: {  	vm8 =	veq.f32 v8, v20;
	v39 =	vsel vm7, $0x8, v14  }
0x15f: {  	vm9 =	veq.f32 v38, v20;
	v8 =	vsel vm8, $0x7, v39  }
0x160: {  	vm10 =	veq.f32 v6, v20;
	v6 =	vsel vm9, $0x6, v8  }
0x161: {  	vm11 =	veq.f32 v7, v20;
	v6 =	vsel vm10, $0x5, v6  }
0x162: {  	vm12 =	veq.f32 v11, v20;
	v6 =	vsel vm11, $0x4, v6  }
0x163: {  	vm13 =	veq.f32 v10, v20;
	v6 =	vsel vm12, $0x3, v6  }
0x164: {  	vm14 =	veq.f32 v12, v20;
	v6 =	vsel vm13, $0x2, v6  }
0x165: {  	vm15 =	veq.f32 v9, v20;
	v6 =	vsel vm14, $0x1, v6  }
0x166: {  	v6 =	vsel vm15, $0x0, v6;
	_ =	sdelay $0x3  }
0x167: {  	v7 =	vld.idx.msk [tilespmem:v5+s11+$0x0], $0xffff  }
0x168: {  	v40 =	vld.idx.msk [tilespmem:v6+s11+$0x0], $0xffff;
	_ =	sdelay $0x4  }
0x169: {  	v7 =	vsub.f32 v36, v7;
	v8 =	vsub.f32 v20, v40;
	_ =	sdelay $0x1  }
0x16a: {  	v41 =	vadd.f32 v8, v7;
	_ =	sdelay $0x1  }
0x16b: {  	v9 =	vadd.f32 v41, v21;
	_ =	sdelay $0x1  }
0x16c: {  	(erf) = vrcp.f32 v9;
	_ =	sdelay $0x8  }
0x16d: {  	v9 =	vpop (erf)  }
0x16e: {  	v7 =	vmul.f32 v9, v7  }
0x16f: {  	v8 =	vmul.f32 v9, v8  }
0x170: {  	v42 =	vand.u32 $0x7FFFFF, v7  }
0x171: {  	v43 =	vand.u32 $0x7FFFFF, v8;
	v9 =	vor.u32 $0x3F800000, v42  }
0x172: {  	v10 =	vor.u32 $0x3F800000, v43;
	v44 =	vadd.f32 $1.000000000e+00, v9  }
0x173: {  	v45 =	vadd.f32 $1.000000000e+00, v10  }
0x174: {  	(erf) = vrcp.f32 v44  }
0x175: {  	(erf) = vrcp.f32 v45;
	_ =	sdelay $0x7  }
0x176: {  	v9 =	vadd.f32 $-1.000000000e+00, v9;
	v10 =	vadd.f32 $-1.000000000e+00, v10;
	v11 =	vpop (erf)  }
0x177: {  	v46 =	vpop (erf)  }
0x178: {  	v9 =	vmul.f32 v11, v9;
	v10 =	vmul.f32 v46, v10;
	_ =	sdelay $0x1  }
0x179: {  	v47 =	vmul.f32 v9, v9;
	v48 =	vmul.f32 v10, v10;
	_ =	sdelay $0x1  }
0x17a: {  	v49 =	vmul.f32 $2.857142980e-01, v47;
	v50 =	vmul.f32 $2.857142980e-01, v48;
	_ =	sdelay $0x1  }
0x17b: {  	v13 =	vadd.f32 $4.000000060e-01, v49;
	v14 =	vadd.f32 $4.000000060e-01, v50;
	_ =	sdelay $0x1  }
0x17c: {  	v13 =	vmul.f32 v13, v47;
	v14 =	vmul.f32 v14, v48;
	_ =	sdelay $0x1  }
0x17d: {  	v51 =	vshra.s32 v8, $0x17;
	v13 =	vadd.f32 $6.666666860e-01, v13;
	v14 =	vadd.f32 $6.666666860e-01, v14  }
0x17e: {  	v52 =	vshra.s32 v7, $0x17;
	v15 =	vadd.s32 $0xFFFFFF81, v51  }
0x17f: {  	v11 =	vmul.f32 v13, v47;
	v13 =	vadd.s32 $0xFFFFFF81, v52;
	v12 =	vmul.f32 v14, v48  }
0x180: {  	v53 =	vcvt.s32.f32 v15;
	v13 =	vcvt.s32.f32 v13  }
0x181: {  	v11 =	vadd.f32 $2.000000000e+00, v11;
	v12 =	vadd.f32 $2.000000000e+00, v12  }
0x182: {  	v14 =	vmul.f32 $6.931471820e-01, v53;
	v54 =	vmul.f32 $6.931471820e-01, v13  }
0x183: {  	v9 =	vmul.f32 v11, v9;
	v10 =	vmul.f32 v12, v10;
	_ =	sdelay $0x1  }
0x184: {  	v9 =	vadd.f32 v9, v54;
	v10 =	vadd.f32 v10, v14;
	_ =	sdelay $0x1  }
0x185: {  	v9 =	vmul.f32 v9, v7;
	v10 =	vmul.f32 v10, v8;
	_ =	sdelay $0x1  }
0x186: {  	v55 =	vadd.s32 v4, v5;
	v9 =	vadd.f32 v10, v9  }
0x187: {  	v56 =	vadd.s32 v4, v6  }
0x188: {  	v57 =	vshll.u32 v22, $0x1;
	v9 =	vsub.f32 $0.0e+00, v9  }
0x189: {  	v58 =	vor.u32 $0x1, v57  }
0x18a: {  	[tilespmem:s12+$0x0] =	vst.add.f32.msk $0xffff, v9  }
0x18b: {  	[tilespmem:v55+s13+$0x0] =	vst.idx.add.f32.msk $0xffff, v3  }
0x18c: {  	[tilespmem:v56+s13+$0x0] =	vst.idx.add.f32.msk $0xffff, v3  }
0x18d: {  	[tilespmem:v57+s14+$0x0] =	vst.idx.msk $0xffff, v7  }
0x18e: {  	[tilespmem:v58+s14+$0x0] =	vst.idx.msk $0xffff, v8  }
0x18f: {  	[tilespmem:v57+s15+$0x0] =	vst.idx.msk $0xffff, v5  }
0x190: {  	[tilespmem:v58+s15+$0x0] =	vst.idx.msk $0xffff, v6  }
0x191: {  	[hbm4b:s5+s3] =	stream.linear.scatter [tilespmem:s14], [sflag:$0x1], $0x400, $0x38;
	[tilespmem:$0x2A80] =	vst v63  }
0x192: {  	_ =	swait.ge [sflag:s10], $0x400  }
0x193: {  	[sflag:s10] =	ssyncset.done $0x0  }
0x194: {  	[sflag:s10] =	ssyncadd.s32 $0xFFFFFC00  }
0x195: {  	[hbm4b:s6+s3] =	stream.linear.scatter [tilespmem:s15], [sflag:$0x1], $0x400, $0x38;
	[tilespmem:$0x2A80] =	vst v63  }
0x196: {  	_ =	swait.ge [sflag:s10], $0x400  }
0x197: {  	[sflag:s10] =	ssyncset.done $0x0  }
0x198: {  	[sflag:s10] =	ssyncadd.s32 $0xFFFFFC00  }
0x199: {  	v5 =	vld [tilespmem:$0x2880]  }
0x19a: {  	v6 =	vld [tilespmem:$0x2890];
	_ =	sdelay $0x1  }
0x19b: {  	v7 =	vld [tilespmem:$0x28A0];
	_ =	sdelay $0x1  }
0x19c: {  	v59 =	vld [tilespmem:$0x28B0]  }
0x19d: {  	v5 =	vadd.f32 v6, v5  }
0x19e: {  	v6 =	vld [tilespmem:$0x28C0]  }
0x19f: {  	v5 =	vadd.f32 v7, v5  }
0x1a0: {  	v7 =	vld [tilespmem:$0x28D0]  }
0x1a1: {  	v5 =	vadd.f32 v59, v5  }
0x1a2: {  	v60 =	vld [tilespmem:$0x28E0]  }
0x1a3: {  	v5 =	vadd.f32 v6, v5  }
0x1a4: {  	v6 =	vld [tilespmem:$0x28F0]  }
0x1a5: {  	v5 =	vadd.f32 v7, v5  }
0x1a6: {  	v7 =	vld [tilespmem:$0x2900]  }
0x1a7: {  	v5 =	vadd.f32 v60, v5  }
0x1a8: {  	v61 =	vld [tilespmem:$0x2910]  }
0x1a9: {  	v5 =	vadd.f32 v6, v5  }
0x1aa: {  	v6 =	vld [tilespmem:$0x2920]  }
0x1ab: {  	v5 =	vadd.f32 v7, v5  }
0x1ac: {  	v7 =	vld [tilespmem:$0x2930]  }
0x1ad: {  	v5 =	vadd.f32 v61, v5  }
0x1ae: {  	v62 =	vld [tilespmem:$0x2940]  }
0x1af: {  	v5 =	vadd.f32 v6, v5  }
0x1b0: {  	v6 =	vld [tilespmem:$0x2950]  }
0x1b1: {  	v5 =	vadd.f32 v7, v5  }
0x1b2: {  	v7 =	vld [tilespmem:$0x2960]  }
0x1b3: {  	v5 =	vadd.f32 v62, v5  }
0x1b4: {  	v63 =	vld [tilespmem:$0x2970]  }
0x1b5: {  	v5 =	vadd.f32 v6, v5;
	_ =	sdelay $0x1  }
0x1b6: {  	v5 =	vadd.f32 v7, v5;
	_ =	sdelay $0x1  }
0x1b7: {  	v5 =	vadd.f32 v63, v5;
	_ =	sdelay $0x1  }
0x1b8: {  	[tilespmem:$0x2980] =	vst v5  }
0x1b9: {  	[hbm4b:s7+s3] =	stream.linear.scatter [tilespmem:s16], [sflag:$0x1], $0x10, $0x38;
	[tilespmem:$0x2A80] =	vst v63  }
0x1ba: {  	s17 =	sadd.s32 $0x1, s17;
	_ =	swait.ge [sflag:s10], $0x10  }
0x1bb: {  	p0 =	sne.s32 s17, s9;
	[sflag:s10] =	ssyncset.done $0x0  }
.Ltmp1:
0x1bc: {  	[sflag:s10] =	ssyncadd.s32 $0xFFFFFFF0;
	(pc) =	sbr.rel @p0 .LBB2_1-.Ltmp1, $4  }
0x1bd: {  	[hbm4b:s8+s3] =	stream.linear.scatter [tilespmem:s12], [sflag:$0x1], $0x10, $0x38;
	[tilespmem:$0x2A80] =	vst v63  }
0x1be: {  	_ =	swait.ge [sflag:s10], $0x10  }
0x1bf: {  	[sflag:s10] =	ssyncset.done $0x0  }
0x1c0: {  	[sflag:s10] =	ssyncadd.s32 $0xFFFFFFF0  }
0x1c1: {  	_ =	sfence.sel $0x180000  }
0x1c2: {  	[bflag:$0x0] =	sbarrier.arrive $0xFFFF  }
0x1c3: {  	p0 =	sne.s32 s0, $0x0;
	_ =	strace $0x90000047  }
0x1c4: {  	s0 =	sadd.s32 @!p0 $0x100000, s2;
	[bflag:$0x2] =	sbarrier.arrive $0xFFFF  }
0x1c5: {  	[sflag:s0] =	ssyncadd.tile.s32 @!p0 $0x1;
	_ =	shalt  }
.Lfunc_end2:
_tile_overlayer_lowered:
.L_overlay_start_2:
0x1c6: {  	(tag) =	ssettag $0x2  }
0x1c7: {  	s0 =	rddreg [dreg:$0x0];
	s2 =	stileid.u32  }
0x1c8: {  	s1 =	rddreg [dreg:$0x1];
	p0 =	sne.s32 s2, $0x0  }
0x1c9: {  	s3 =	rddreg [dreg:$0x2];
	[bflag:$0x3] =	sbarrier.arrive $0xFFFF;
	s2 =	simm.s32 @!p0 $0x1C01  }
0x1ca: {  	[timem:s3], [sflag:s2] =	dma.local @!p0 [hbm:s0], s1  }
0x1cb: {  	s0 =	simm.s32 @!p0 $0x1  }
0x1cc: {  	_ =	swait.ge @!p0 [sflag:s0], s1  }
0x1cd: {  	s1 =	ssub.s32 @!p0 $0x0, s1;
	[sflag:s0] =	ssyncset.done @!p0 $0x0  }
0x1ce: {  	[sflag:s0] =	ssyncadd.s32 @!p0 s1  }
0x1cf: {  	[bflag:$0x3] =	sbarrier.arrive $0xFFFF  }
0x1d0: {  	_ =	shalt  }

</sc_bundles>
